<compile_context>
chip_gen: v7x
topology: tpu7x:2x2x1
jax: 0.10.2.dev20260603
libtpu: 0.0.44.dev20260713+nightly
codegen_flags: <defaults>
</compile_context>

<pallas_src>
import functools

import jax
import jax.numpy as jnp
from jax import lax
from jax.experimental import pallas as pl
from jax.experimental.pallas import tpu as pltpu
from jax.experimental.pallas import tpu_sc as plsc

D_MODEL = 1024
SCALE = 32.0
LANES = 16

NC = 2
NS = 16
NW = NC * NS

B_TOTAL = 4 * 4096
B_PER_W = B_TOTAL // NW
CHUNK = 16
NCH = B_PER_W // CHUNK
NBI = 4
NBO = 2
PER = max(NBI, NBO)
assert NCH % PER == 0 and PER % min(NBI, NBO) == 0 and NCH >= 2 * PER

_mesh = plsc.VectorSubcoreMesh(core_axis_name="c", subcore_axis_name="s")


def _scale_chunk(src, dst):
  @plsc.parallel_loop(0, CHUNK * (D_MODEL // LANES), unroll=8)
  def _elem(t):
    r = t >> 6
    sl = pl.ds((t & 63) * LANES, LANES)
    dst[r, sl] = src[r, sl] * SCALE


@functools.partial(
    pl.kernel,
    out_type=jax.ShapeDtypeStruct((B_TOTAL, D_MODEL), jnp.float32),
    mesh=_mesh,
    scratch_types=(
        [pltpu.VMEM((NCH, CHUNK), jnp.int32)]
        + [pltpu.VMEM((CHUNK, D_MODEL), jnp.float32)] * (NBI + NBO)
        + [pltpu.SemaphoreType.DMA] * (NBI + NBO)
    ),
)
def _emb_lookup(x_hbm, table_hbm, out_hbm, idx_v, *rest):
  ins = rest[:NBI]
  outs = rest[NBI:NBI + NBO]
  gsems = rest[NBI + NBO:2 * NBI + NBO]
  ssems = rest[2 * NBI + NBO:]

  wid = lax.axis_index("s") * NC + lax.axis_index("c")
  base = wid * B_PER_W

  pltpu.sync_copy(x_hbm.at[wid], idx_v)

  for b in range(NBI):
    pltpu.async_copy(table_hbm.at[idx_v.at[b]], ins[b], gsems[b])

  for j in range(PER):
    bi, bo = j % NBI, j % NBO
    pltpu.make_async_copy(
        table_hbm.at[idx_v.at[bi]], ins[bi], gsems[bi]).wait()
    if j >= NBO:
      pltpu.make_async_copy(
          outs[bo], out_hbm.at[pl.ds(base, CHUNK)], ssems[bo]).wait()
    _scale_chunk(ins[bi], outs[bo])
    pltpu.async_copy(
        outs[bo], out_hbm.at[pl.ds(base + j * CHUNK, CHUNK)], ssems[bo])
    pltpu.async_copy(table_hbm.at[idx_v.at[NBI + j]], ins[bi], gsems[bi])

  def group(g, _):
    for b in range(PER):
      j = g * PER + b
      bi, bo = b % NBI, b % NBO
      pltpu.make_async_copy(
          table_hbm.at[idx_v.at[j]], ins[bi], gsems[bi]).wait()
      pltpu.make_async_copy(
          outs[bo], out_hbm.at[pl.ds(base, CHUNK)], ssems[bo]).wait()
      _scale_chunk(ins[bi], outs[bo])
      nj = j + NBI

      @pl.when(nj < NCH)
      def _():
        pltpu.async_copy(table_hbm.at[idx_v.at[nj]], ins[bi], gsems[bi])
      pltpu.async_copy(
          outs[bo], out_hbm.at[pl.ds(base + j * CHUNK, CHUNK)], ssems[bo])
    return 0

  lax.fori_loop(1, NCH // PER, group, 0)

  for b in range(NBO):
    pltpu.make_async_copy(
        outs[b], out_hbm.at[pl.ds(base, CHUNK)], ssems[b]).wait()


def kernel(x, table):
  xf = x.astype(jnp.int32).reshape(NW, NCH, CHUNK)
  out = _emb_lookup(xf, table)
  return out.reshape(x.shape + (D_MODEL,))

# --- scband reference (transcript-rebuilt; emitter-appended) ---
"""Pipeline reference for scband-scaled-embedding-17145509446312 (READ-ONLY COPY).

The authoritative reference and input builder live on the scoring server;
editing this copy changes nothing except your own understanding.
"""

import jax, jax.numpy as jnp
import numpy as np
import math

VOCAB = 100000
D_MODEL = 1024

def setup_inputs(seed: int = 0) -> dict:
    key = jax.random.key(seed)
    k_idx, k_tab = jax.random.split(key)
    x = jax.random.randint(k_idx, (4, 4096), 0, VOCAB, dtype=jnp.int64 if jax.config.jax_enable_x64 else jnp.int32)
    table = jax.random.normal(k_tab, (VOCAB, D_MODEL), dtype=jnp.float32)
    return {"x": x, "table": table}

def reference(x, table):
    # ScaledEmbedding.forward: embedding lookup scaled by sqrt(d_model)
    emb = jnp.take(table, x, axis=0)
    return emb * math.sqrt(D_MODEL)

if __name__ == "__main__":
    import jax
    _d = setup_inputs()
    print(jax.jit(kernel)(*tuple(_d.values())))

</pallas_src>

<mosaic_0001>
#map = affine_map<(d0, d1) -> (0, 0, 0)>
#map1 = affine_map<(d0, d1) -> (0, 0)>
module attributes {stable_mosaic.version = 14 : i64} {
  func.func @_emb_lookup(%arg0: i32, %arg1: i32, %arg2: memref<32x32x16xi32, #tpu.memory_space<hbm>>, %arg3: memref<100000x1024xf32, #tpu.memory_space<hbm>>, %arg4: memref<16384x1024xf32, #tpu.memory_space<hbm>>, %arg5: memref<32x16xi32, #tpu.memory_space<vmem>>, %arg6: memref<16x1024xf32, #tpu.memory_space<vmem>>, %arg7: memref<16x1024xf32, #tpu.memory_space<vmem>>, %arg8: memref<16x1024xf32, #tpu.memory_space<vmem>>, %arg9: memref<16x1024xf32, #tpu.memory_space<vmem>>, %arg10: memref<16x1024xf32, #tpu.memory_space<vmem>>, %arg11: memref<16x1024xf32, #tpu.memory_space<vmem>>, %arg12: memref<!tpu.dma_semaphore, #tpu.memory_space<semaphore_mem>>, %arg13: memref<!tpu.dma_semaphore, #tpu.memory_space<semaphore_mem>>, %arg14: memref<!tpu.dma_semaphore, #tpu.memory_space<semaphore_mem>>, %arg15: memref<!tpu.dma_semaphore, #tpu.memory_space<semaphore_mem>>, %arg16: memref<!tpu.dma_semaphore, #tpu.memory_space<semaphore_mem>>, %arg17: memref<!tpu.dma_semaphore, #tpu.memory_space<semaphore_mem>>) attributes {dimension_semantics = [#tpu.dimension_semantics<core_parallel>, #tpu.dimension_semantics<subcore_parallel>], iteration_bounds = array<i64: 2, 16>, scalar_prefetch = 0 : i64, scratch_operands = 13 : i64, tpu.core_type = #tpu.core_type<sc_vector_subcore>, window_params = [{transform_indices = #map}, {transform_indices = #map1}, {transform_indices = #map1}]} {
    %mul3A = arith.constant 2 : i32
    %mul3A_0 = arith.muli %arg1, %mul3A : i32
    %add3A = arith.addi %mul3A_0, %arg0 : i32
    %mul3A_1 = arith.constant 512 : i32
    %mul3A_2 = arith.muli %add3A, %mul3A_1 : i32
    "tpu.region"() ({
      %run_scoped3A = tpu.sem_alloc : memref<!tpu.dma_semaphore, #tpu.memory_space<semaphore_mem>>
      %dma_start3A_142 = arith.constant 0 : i32
      %dma_start3A_143 = arith.constant 0 : i32
      %dma_start3A_144 = tpu.memref_slice %arg2[%add3A, %dma_start3A_142, %dma_start3A_143] : memref<32x32x16xi32, #tpu.memory_space<hbm>> -> memref<1x32x16xi32, #tpu.memory_space<hbm>>
      %dma_start3A_145 = tpu.memref_squeeze %dma_start3A_144 : memref<1x32x16xi32, #tpu.memory_space<hbm>> -> memref<32x16xi32, #tpu.memory_space<hbm>>
      %dma_start3A_146 = arith.constant 0 : i32
      %dma_start3A_147 = arith.constant 0 : i32
      %dma_start3A_148 = tpu.memref_slice %arg2[%add3A, %dma_start3A_146, %dma_start3A_147] : memref<32x32x16xi32, #tpu.memory_space<hbm>> -> memref<1x32x16xi32, #tpu.memory_space<hbm>>
      %dma_start3A_149 = tpu.memref_squeeze %dma_start3A_148 : memref<1x32x16xi32, #tpu.memory_space<hbm>> -> memref<32x16xi32, #tpu.memory_space<hbm>>
      tpu.enqueue_dma source(%dma_start3A_149 : memref<32x16xi32, #tpu.memory_space<hbm>>) target(%arg5 : memref<32x16xi32, #tpu.memory_space<vmem>>) target_semaphore(%run_scoped3A : memref<!tpu.dma_semaphore, #tpu.memory_space<semaphore_mem>>)
      %dma_wait3A_150 = arith.constant 0 : i32
      %dma_wait3A_151 = arith.constant 0 : i32
      %dma_wait3A_152 = tpu.memref_slice %arg2[%add3A, %dma_wait3A_150, %dma_wait3A_151] : memref<32x32x16xi32, #tpu.memory_space<hbm>> -> memref<1x32x16xi32, #tpu.memory_space<hbm>>
      %dma_wait3A_153 = tpu.memref_squeeze %dma_wait3A_152 : memref<1x32x16xi32, #tpu.memory_space<hbm>> -> memref<32x16xi32, #tpu.memory_space<hbm>>
      %dma_wait3A_154 = arith.constant 0 : i32
      %dma_wait3A_155 = arith.constant 0 : i32
      %dma_wait3A_156 = tpu.memref_slice %arg2[%add3A, %dma_wait3A_154, %dma_wait3A_155] : memref<32x32x16xi32, #tpu.memory_space<hbm>> -> memref<1x32x16xi32, #tpu.memory_space<hbm>>
      %dma_wait3A_157 = tpu.memref_squeeze %dma_wait3A_156 : memref<1x32x16xi32, #tpu.memory_space<hbm>> -> memref<32x16xi32, #tpu.memory_space<hbm>>
      tpu.wait_dma2 semaphore(%run_scoped3A : memref<!tpu.dma_semaphore, #tpu.memory_space<semaphore_mem>>) src(%dma_wait3A_157 : memref<32x16xi32, #tpu.memory_space<hbm>>) dst(%arg5 : memref<32x16xi32, #tpu.memory_space<vmem>>)
      tpu.yield
    }) : () -> ()
    %dma_start3A = arith.constant 0 : i32
    %dma_start3A_3 = arith.constant 0 : i32
    %dma_start3A_4 = tpu.memref_slice %arg5[%dma_start3A, %dma_start3A_3] : memref<32x16xi32, #tpu.memory_space<vmem>> -> memref<1x16xi32, #tpu.memory_space<vmem>>
    %dma_start3A_5 = tpu.memref_squeeze %dma_start3A_4 : memref<1x16xi32, #tpu.memory_space<vmem>> -> memref<16xi32, #tpu.memory_space<vmem>>
    %dma_start3A_6 = arith.constant 0 : i32
    %dma_start3A_7 = arith.constant 0 : i32
    %dma_start3A_8 = tpu.memref_slice %arg3[%dma_start3A_6, %dma_start3A_7] : memref<100000x1024xf32, #tpu.memory_space<hbm>> -> memref<100000x1024xf32, #tpu.memory_space<hbm>>
    tpu.enqueue_indirect_dma source(%dma_start3A_8 : memref<100000x1024xf32, #tpu.memory_space<hbm>>) target(%arg6 : memref<16x1024xf32, #tpu.memory_space<vmem>>) offsets(%dma_start3A_5 : memref<16xi32, #tpu.memory_space<vmem>>) semaphore(%arg12 : memref<!tpu.dma_semaphore, #tpu.memory_space<semaphore_mem>>)
    %dma_start3A_9 = arith.constant 1 : i32
    %dma_start3A_10 = arith.constant 0 : i32
    %dma_start3A_11 = tpu.memref_slice %arg5[%dma_start3A_9, %dma_start3A_10] : memref<32x16xi32, #tpu.memory_space<vmem>> -> memref<1x16xi32, #tpu.memory_space<vmem>>
    %dma_start3A_12 = tpu.memref_squeeze %dma_start3A_11 : memref<1x16xi32, #tpu.memory_space<vmem>> -> memref<16xi32, #tpu.memory_space<vmem>>
    %dma_start3A_13 = arith.constant 0 : i32
    %dma_start3A_14 = arith.constant 0 : i32
    %dma_start3A_15 = tpu.memref_slice %arg3[%dma_start3A_13, %dma_start3A_14] : memref<100000x1024xf32, #tpu.memory_space<hbm>> -> memref<100000x1024xf32, #tpu.memory_space<hbm>>
    tpu.enqueue_indirect_dma source(%dma_start3A_15 : memref<100000x1024xf32, #tpu.memory_space<hbm>>) target(%arg7 : memref<16x1024xf32, #tpu.memory_space<vmem>>) offsets(%dma_start3A_12 : memref<16xi32, #tpu.memory_space<vmem>>) semaphore(%arg13 : memref<!tpu.dma_semaphore, #tpu.memory_space<semaphore_mem>>)
    %dma_start3A_16 = arith.constant 2 : i32
    %dma_start3A_17 = arith.constant 0 : i32
    %dma_start3A_18 = tpu.memref_slice %arg5[%dma_start3A_16, %dma_start3A_17] : memref<32x16xi32, #tpu.memory_space<vmem>> -> memref<1x16xi32, #tpu.memory_space<vmem>>
    %dma_start3A_19 = tpu.memref_squeeze %dma_start3A_18 : memref<1x16xi32, #tpu.memory_space<vmem>> -> memref<16xi32, #tpu.memory_space<vmem>>
    %dma_start3A_20 = arith.constant 0 : i32
    %dma_start3A_21 = arith.constant 0 : i32
    %dma_start3A_22 = tpu.memref_slice %arg3[%dma_start3A_20, %dma_start3A_21] : memref<100000x1024xf32, #tpu.memory_space<hbm>> -> memref<100000x1024xf32, #tpu.memory_space<hbm>>
    tpu.enqueue_indirect_dma source(%dma_start3A_22 : memref<100000x1024xf32, #tpu.memory_space<hbm>>) target(%arg8 : memref<16x1024xf32, #tpu.memory_space<vmem>>) offsets(%dma_start3A_19 : memref<16xi32, #tpu.memory_space<vmem>>) semaphore(%arg14 : memref<!tpu.dma_semaphore, #tpu.memory_space<semaphore_mem>>)
    %dma_start3A_23 = arith.constant 3 : i32
    %dma_start3A_24 = arith.constant 0 : i32
    %dma_start3A_25 = tpu.memref_slice %arg5[%dma_start3A_23, %dma_start3A_24] : memref<32x16xi32, #tpu.memory_space<vmem>> -> memref<1x16xi32, #tpu.memory_space<vmem>>
    %dma_start3A_26 = tpu.memref_squeeze %dma_start3A_25 : memref<1x16xi32, #tpu.memory_space<vmem>> -> memref<16xi32, #tpu.memory_space<vmem>>
    %dma_start3A_27 = arith.constant 0 : i32
    %dma_start3A_28 = arith.constant 0 : i32
    %dma_start3A_29 = tpu.memref_slice %arg3[%dma_start3A_27, %dma_start3A_28] : memref<100000x1024xf32, #tpu.memory_space<hbm>> -> memref<100000x1024xf32, #tpu.memory_space<hbm>>
    tpu.enqueue_indirect_dma source(%dma_start3A_29 : memref<100000x1024xf32, #tpu.memory_space<hbm>>) target(%arg9 : memref<16x1024xf32, #tpu.memory_space<vmem>>) offsets(%dma_start3A_26 : memref<16xi32, #tpu.memory_space<vmem>>) semaphore(%arg15 : memref<!tpu.dma_semaphore, #tpu.memory_space<semaphore_mem>>)
    %dma_wait3A = arith.constant 0 : i32
    %dma_wait3A_30 = arith.constant 0 : i32
    %dma_wait3A_31 = tpu.memref_slice %arg5[%dma_wait3A, %dma_wait3A_30] : memref<32x16xi32, #tpu.memory_space<vmem>> -> memref<1x16xi32, #tpu.memory_space<vmem>>
    %dma_wait3A_32 = tpu.memref_squeeze %dma_wait3A_31 : memref<1x16xi32, #tpu.memory_space<vmem>> -> memref<16xi32, #tpu.memory_space<vmem>>
    %dma_wait3A_33 = arith.constant 0 : i32
    %dma_wait3A_34 = arith.constant 0 : i32
    %dma_wait3A_35 = tpu.memref_slice %arg3[%dma_wait3A_33, %dma_wait3A_34] : memref<100000x1024xf32, #tpu.memory_space<hbm>> -> memref<100000x1024xf32, #tpu.memory_space<hbm>>
    tpu.wait_indirect_dma semaphore(%arg12 : memref<!tpu.dma_semaphore, #tpu.memory_space<semaphore_mem>>) src(%dma_wait3A_35 : memref<100000x1024xf32, #tpu.memory_space<hbm>>) dst(%arg6 : memref<16x1024xf32, #tpu.memory_space<vmem>>)
    %parallel_loop3A = arith.constant 0 : i32
    %parallel_loop3A_36 = arith.constant 1024 : i32
    %parallel_loop3A_37 = arith.constant 1 : i32
    scf.for %parallel_loop3A_142 = %parallel_loop3A to %parallel_loop3A_36 step %parallel_loop3A_37  : i32 {
      %parallel_loop3A_143 = arith.constant 6 : i32
      %parallel_loop3A_144 = arith.shrsi %parallel_loop3A_142, %parallel_loop3A_143 : i32
      %parallel_loop3A_145 = arith.constant 63 : i32
      %parallel_loop3A_146 = arith.andi %parallel_loop3A_142, %parallel_loop3A_145 : i32
      %parallel_loop3A_147 = arith.constant 16 : i32
      %parallel_loop3A_148 = arith.muli %parallel_loop3A_146, %parallel_loop3A_147 : i32
      %parallel_loop3A_149 = arith.index_cast %parallel_loop3A_144 : i32 to index
      %parallel_loop3A_150 = arith.index_cast %parallel_loop3A_148 : i32 to index
      %parallel_loop3A_151 = tpu.vector_load %arg6[%parallel_loop3A_149, %parallel_loop3A_150] {strides = array<i32>} : memref<16x1024xf32, #tpu.memory_space<vmem>>, vector<1x16xf32>,
      %parallel_loop3A_152 = vector.shape_cast %parallel_loop3A_151 : vector<1x16xf32> to vector<16xf32>
      %parallel_loop3A_153 = arith.constant 3.200000e+01 : f32
      %parallel_loop3A_154 = vector.broadcast %parallel_loop3A_153 : f32 to vector<16xf32>
      %parallel_loop3A_155 = arith.mulf %parallel_loop3A_152, %parallel_loop3A_154 : vector<16xf32>
      %parallel_loop3A_156 = arith.index_cast %parallel_loop3A_144 : i32 to index
      %parallel_loop3A_157 = arith.index_cast %parallel_loop3A_148 : i32 to index
      %parallel_loop3A_158 = tpu.vector_load %arg10[%parallel_loop3A_156, %parallel_loop3A_157] {strides = array<i32>} : memref<16x1024xf32, #tpu.memory_space<vmem>>, vector<1x16xf32>,
      %parallel_loop3A_159 = vector.shape_cast %parallel_loop3A_158 : vector<1x16xf32> to vector<16xf32>
      %parallel_loop3A_160 = vector.shape_cast %parallel_loop3A_155 : vector<16xf32> to vector<1x16xf32>
      tpu.vector_store %arg10[%parallel_loop3A_156, %parallel_loop3A_157], %parallel_loop3A_160 {strides = array<i32>} : memref<16x1024xf32, #tpu.memory_space<vmem>>, vector<1x16xf32>,
    } {sc.loop_unroll_factor = 8 : i64, sc.parallel_access}
    %add3A_38 = arith.constant 0 : i32
    %add3A_39 = arith.addi %mul3A_2, %add3A_38 : i32
    %dma_start3A_40 = arith.constant 0 : i32
    %dma_start3A_41 = tpu.memref_slice %arg4[%add3A_39, %dma_start3A_40] : memref<16384x1024xf32, #tpu.memory_space<hbm>> -> memref<16x1024xf32, #tpu.memory_space<hbm>>
    %dma_start3A_42 = arith.constant 0 : i32
    %dma_start3A_43 = tpu.memref_slice %arg4[%add3A_39, %dma_start3A_42] : memref<16384x1024xf32, #tpu.memory_space<hbm>> -> memref<16x1024xf32, #tpu.memory_space<hbm>>
    tpu.enqueue_dma source(%arg10 : memref<16x1024xf32, #tpu.memory_space<vmem>>) target(%dma_start3A_43 : memref<16x1024xf32, #tpu.memory_space<hbm>>) target_semaphore(%arg16 : memref<!tpu.dma_semaphore, #tpu.memory_space<semaphore_mem>>)
    %dma_start3A_44 = arith.constant 4 : i32
    %dma_start3A_45 = arith.constant 0 : i32
    %dma_start3A_46 = tpu.memref_slice %arg5[%dma_start3A_44, %dma_start3A_45] : memref<32x16xi32, #tpu.memory_space<vmem>> -> memref<1x16xi32, #tpu.memory_space<vmem>>
    %dma_start3A_47 = tpu.memref_squeeze %dma_start3A_46 : memref<1x16xi32, #tpu.memory_space<vmem>> -> memref<16xi32, #tpu.memory_space<vmem>>
    %dma_start3A_48 = arith.constant 0 : i32
    %dma_start3A_49 = arith.constant 0 : i32
    %dma_start3A_50 = tpu.memref_slice %arg3[%dma_start3A_48, %dma_start3A_49] : memref<100000x1024xf32, #tpu.memory_space<hbm>> -> memref<100000x1024xf32, #tpu.memory_space<hbm>>
    tpu.enqueue_indirect_dma source(%dma_start3A_50 : memref<100000x1024xf32, #tpu.memory_space<hbm>>) target(%arg6 : memref<16x1024xf32, #tpu.memory_space<vmem>>) offsets(%dma_start3A_47 : memref<16xi32, #tpu.memory_space<vmem>>) semaphore(%arg12 : memref<!tpu.dma_semaphore, #tpu.memory_space<semaphore_mem>>)
    %dma_wait3A_51 = arith.constant 1 : i32
    %dma_wait3A_52 = arith.constant 0 : i32
    %dma_wait3A_53 = tpu.memref_slice %arg5[%dma_wait3A_51, %dma_wait3A_52] : memref<32x16xi32, #tpu.memory_space<vmem>> -> memref<1x16xi32, #tpu.memory_space<vmem>>
    %dma_wait3A_54 = tpu.memref_squeeze %dma_wait3A_53 : memref<1x16xi32, #tpu.memory_space<vmem>> -> memref<16xi32, #tpu.memory_space<vmem>>
    %dma_wait3A_55 = arith.constant 0 : i32
    %dma_wait3A_56 = arith.constant 0 : i32
    %dma_wait3A_57 = tpu.memref_slice %arg3[%dma_wait3A_55, %dma_wait3A_56] : memref<100000x1024xf32, #tpu.memory_space<hbm>> -> memref<100000x1024xf32, #tpu.memory_space<hbm>>
    tpu.wait_indirect_dma semaphore(%arg13 : memref<!tpu.dma_semaphore, #tpu.memory_space<semaphore_mem>>) src(%dma_wait3A_57 : memref<100000x1024xf32, #tpu.memory_space<hbm>>) dst(%arg7 : memref<16x1024xf32, #tpu.memory_space<vmem>>)
    %parallel_loop3A_58 = arith.constant 0 : i32
    %parallel_loop3A_59 = arith.constant 1024 : i32
    %parallel_loop3A_60 = arith.constant 1 : i32
    scf.for %parallel_loop3A_142 = %parallel_loop3A_58 to %parallel_loop3A_59 step %parallel_loop3A_60  : i32 {
      %parallel_loop3A_143 = arith.constant 6 : i32
      %parallel_loop3A_144 = arith.shrsi %parallel_loop3A_142, %parallel_loop3A_143 : i32
      %parallel_loop3A_145 = arith.constant 63 : i32
      %parallel_loop3A_146 = arith.andi %parallel_loop3A_142, %parallel_loop3A_145 : i32
      %parallel_loop3A_147 = arith.constant 16 : i32
      %parallel_loop3A_148 = arith.muli %parallel_loop3A_146, %parallel_loop3A_147 : i32
      %parallel_loop3A_149 = arith.index_cast %parallel_loop3A_144 : i32 to index
      %parallel_loop3A_150 = arith.index_cast %parallel_loop3A_148 : i32 to index
      %parallel_loop3A_151 = tpu.vector_load %arg7[%parallel_loop3A_149, %parallel_loop3A_150] {strides = array<i32>} : memref<16x1024xf32, #tpu.memory_space<vmem>>, vector<1x16xf32>,
      %parallel_loop3A_152 = vector.shape_cast %parallel_loop3A_151 : vector<1x16xf32> to vector<16xf32>
      %parallel_loop3A_153 = arith.constant 3.200000e+01 : f32
      %parallel_loop3A_154 = vector.broadcast %parallel_loop3A_153 : f32 to vector<16xf32>
      %parallel_loop3A_155 = arith.mulf %parallel_loop3A_152, %parallel_loop3A_154 : vector<16xf32>
      %parallel_loop3A_156 = arith.index_cast %parallel_loop3A_144 : i32 to index
      %parallel_loop3A_157 = arith.index_cast %parallel_loop3A_148 : i32 to index
      %parallel_loop3A_158 = tpu.vector_load %arg11[%parallel_loop3A_156, %parallel_loop3A_157] {strides = array<i32>} : memref<16x1024xf32, #tpu.memory_space<vmem>>, vector<1x16xf32>,
      %parallel_loop3A_159 = vector.shape_cast %parallel_loop3A_158 : vector<1x16xf32> to vector<16xf32>
      %parallel_loop3A_160 = vector.shape_cast %parallel_loop3A_155 : vector<16xf32> to vector<1x16xf32>
      tpu.vector_store %arg11[%parallel_loop3A_156, %parallel_loop3A_157], %parallel_loop3A_160 {strides = array<i32>} : memref<16x1024xf32, #tpu.memory_space<vmem>>, vector<1x16xf32>,
    } {sc.loop_unroll_factor = 8 : i64, sc.parallel_access}
    %add3A_61 = arith.constant 16 : i32
    %add3A_62 = arith.addi %mul3A_2, %add3A_61 : i32
    %dma_start3A_63 = arith.constant 0 : i32
    %dma_start3A_64 = tpu.memref_slice %arg4[%add3A_62, %dma_start3A_63] : memref<16384x1024xf32, #tpu.memory_space<hbm>> -> memref<16x1024xf32, #tpu.memory_space<hbm>>
    %dma_start3A_65 = arith.constant 0 : i32
    %dma_start3A_66 = tpu.memref_slice %arg4[%add3A_62, %dma_start3A_65] : memref<16384x1024xf32, #tpu.memory_space<hbm>> -> memref<16x1024xf32, #tpu.memory_space<hbm>>
    tpu.enqueue_dma source(%arg11 : memref<16x1024xf32, #tpu.memory_space<vmem>>) target(%dma_start3A_66 : memref<16x1024xf32, #tpu.memory_space<hbm>>) target_semaphore(%arg17 : memref<!tpu.dma_semaphore, #tpu.memory_space<semaphore_mem>>)
    %dma_start3A_67 = arith.constant 5 : i32
    %dma_start3A_68 = arith.constant 0 : i32
    %dma_start3A_69 = tpu.memref_slice %arg5[%dma_start3A_67, %dma_start3A_68] : memref<32x16xi32, #tpu.memory_space<vmem>> -> memref<1x16xi32, #tpu.memory_space<vmem>>
    %dma_start3A_70 = tpu.memref_squeeze %dma_start3A_69 : memref<1x16xi32, #tpu.memory_space<vmem>> -> memref<16xi32, #tpu.memory_space<vmem>>
    %dma_start3A_71 = arith.constant 0 : i32
    %dma_start3A_72 = arith.constant 0 : i32
    %dma_start3A_73 = tpu.memref_slice %arg3[%dma_start3A_71, %dma_start3A_72] : memref<100000x1024xf32, #tpu.memory_space<hbm>> -> memref<100000x1024xf32, #tpu.memory_space<hbm>>
    tpu.enqueue_indirect_dma source(%dma_start3A_73 : memref<100000x1024xf32, #tpu.memory_space<hbm>>) target(%arg7 : memref<16x1024xf32, #tpu.memory_space<vmem>>) offsets(%dma_start3A_70 : memref<16xi32, #tpu.memory_space<vmem>>) semaphore(%arg13 : memref<!tpu.dma_semaphore, #tpu.memory_space<semaphore_mem>>)
    %dma_wait3A_74 = arith.constant 2 : i32
    %dma_wait3A_75 = arith.constant 0 : i32
    %dma_wait3A_76 = tpu.memref_slice %arg5[%dma_wait3A_74, %dma_wait3A_75] : memref<32x16xi32, #tpu.memory_space<vmem>> -> memref<1x16xi32, #tpu.memory_space<vmem>>
    %dma_wait3A_77 = tpu.memref_squeeze %dma_wait3A_76 : memref<1x16xi32, #tpu.memory_space<vmem>> -> memref<16xi32, #tpu.memory_space<vmem>>
    %dma_wait3A_78 = arith.constant 0 : i32
    %dma_wait3A_79 = arith.constant 0 : i32
    %dma_wait3A_80 = tpu.memref_slice %arg3[%dma_wait3A_78, %dma_wait3A_79] : memref<100000x1024xf32, #tpu.memory_space<hbm>> -> memref<100000x1024xf32, #tpu.memory_space<hbm>>
    tpu.wait_indirect_dma semaphore(%arg14 : memref<!tpu.dma_semaphore, #tpu.memory_space<semaphore_mem>>) src(%dma_wait3A_80 : memref<100000x1024xf32, #tpu.memory_space<hbm>>) dst(%arg8 : memref<16x1024xf32, #tpu.memory_space<vmem>>)
    %dma_wait3A_81 = arith.constant 0 : i32
    %dma_wait3A_82 = tpu.memref_slice %arg4[%mul3A_2, %dma_wait3A_81] : memref<16384x1024xf32, #tpu.memory_space<hbm>> -> memref<16x1024xf32, #tpu.memory_space<hbm>>
    %dma_wait3A_83 = arith.constant 0 : i32
    %dma_wait3A_84 = tpu.memref_slice %arg4[%mul3A_2, %dma_wait3A_83] : memref<16384x1024xf32, #tpu.memory_space<hbm>> -> memref<16x1024xf32, #tpu.memory_space<hbm>>
    tpu.wait_dma2 semaphore(%arg16 : memref<!tpu.dma_semaphore, #tpu.memory_space<semaphore_mem>>) src(%arg10 : memref<16x1024xf32, #tpu.memory_space<vmem>>) dst(%dma_wait3A_84 : memref<16x1024xf32, #tpu.memory_space<hbm>>)
    %parallel_loop3A_85 = arith.constant 0 : i32
    %parallel_loop3A_86 = arith.constant 1024 : i32
    %parallel_loop3A_87 = arith.constant 1 : i32
    scf.for %parallel_loop3A_142 = %parallel_loop3A_85 to %parallel_loop3A_86 step %parallel_loop3A_87  : i32 {
      %parallel_loop3A_143 = arith.constant 6 : i32
      %parallel_loop3A_144 = arith.shrsi %parallel_loop3A_142, %parallel_loop3A_143 : i32
      %parallel_loop3A_145 = arith.constant 63 : i32
      %parallel_loop3A_146 = arith.andi %parallel_loop3A_142, %parallel_loop3A_145 : i32
      %parallel_loop3A_147 = arith.constant 16 : i32
      %parallel_loop3A_148 = arith.muli %parallel_loop3A_146, %parallel_loop3A_147 : i32
      %parallel_loop3A_149 = arith.index_cast %parallel_loop3A_144 : i32 to index
      %parallel_loop3A_150 = arith.index_cast %parallel_loop3A_148 : i32 to index
      %parallel_loop3A_151 = tpu.vector_load %arg8[%parallel_loop3A_149, %parallel_loop3A_150] {strides = array<i32>} : memref<16x1024xf32, #tpu.memory_space<vmem>>, vector<1x16xf32>,
      %parallel_loop3A_152 = vector.shape_cast %parallel_loop3A_151 : vector<1x16xf32> to vector<16xf32>
      %parallel_loop3A_153 = arith.constant 3.200000e+01 : f32
      %parallel_loop3A_154 = vector.broadcast %parallel_loop3A_153 : f32 to vector<16xf32>
      %parallel_loop3A_155 = arith.mulf %parallel_loop3A_152, %parallel_loop3A_154 : vector<16xf32>
      %parallel_loop3A_156 = arith.index_cast %parallel_loop3A_144 : i32 to index
      %parallel_loop3A_157 = arith.index_cast %parallel_loop3A_148 : i32 to index
      %parallel_loop3A_158 = tpu.vector_load %arg10[%parallel_loop3A_156, %parallel_loop3A_157] {strides = array<i32>} : memref<16x1024xf32, #tpu.memory_space<vmem>>, vector<1x16xf32>,
      %parallel_loop3A_159 = vector.shape_cast %parallel_loop3A_158 : vector<1x16xf32> to vector<16xf32>
      %parallel_loop3A_160 = vector.shape_cast %parallel_loop3A_155 : vector<16xf32> to vector<1x16xf32>
      tpu.vector_store %arg10[%parallel_loop3A_156, %parallel_loop3A_157], %parallel_loop3A_160 {strides = array<i32>} : memref<16x1024xf32, #tpu.memory_space<vmem>>, vector<1x16xf32>,
    } {sc.loop_unroll_factor = 8 : i64, sc.parallel_access}
    %add3A_88 = arith.constant 32 : i32
    %add3A_89 = arith.addi %mul3A_2, %add3A_88 : i32
    %dma_start3A_90 = arith.constant 0 : i32
    %dma_start3A_91 = tpu.memref_slice %arg4[%add3A_89, %dma_start3A_90] : memref<16384x1024xf32, #tpu.memory_space<hbm>> -> memref<16x1024xf32, #tpu.memory_space<hbm>>
    %dma_start3A_92 = arith.constant 0 : i32
    %dma_start3A_93 = tpu.memref_slice %arg4[%add3A_89, %dma_start3A_92] : memref<16384x1024xf32, #tpu.memory_space<hbm>> -> memref<16x1024xf32, #tpu.memory_space<hbm>>
    tpu.enqueue_dma source(%arg10 : memref<16x1024xf32, #tpu.memory_space<vmem>>) target(%dma_start3A_93 : memref<16x1024xf32, #tpu.memory_space<hbm>>) target_semaphore(%arg16 : memref<!tpu.dma_semaphore, #tpu.memory_space<semaphore_mem>>)
    %dma_start3A_94 = arith.constant 6 : i32
    %dma_start3A_95 = arith.constant 0 : i32
    %dma_start3A_96 = tpu.memref_slice %arg5[%dma_start3A_94, %dma_start3A_95] : memref<32x16xi32, #tpu.memory_space<vmem>> -> memref<1x16xi32, #tpu.memory_space<vmem>>
    %dma_start3A_97 = tpu.memref_squeeze %dma_start3A_96 : memref<1x16xi32, #tpu.memory_space<vmem>> -> memref<16xi32, #tpu.memory_space<vmem>>
    %dma_start3A_98 = arith.constant 0 : i32
    %dma_start3A_99 = arith.constant 0 : i32
    %dma_start3A_100 = tpu.memref_slice %arg3[%dma_start3A_98, %dma_start3A_99] : memref<100000x1024xf32, #tpu.memory_space<hbm>> -> memref<100000x1024xf32, #tpu.memory_space<hbm>>
    tpu.enqueue_indirect_dma source(%dma_start3A_100 : memref<100000x1024xf32, #tpu.memory_space<hbm>>) target(%arg8 : memref<16x1024xf32, #tpu.memory_space<vmem>>) offsets(%dma_start3A_97 : memref<16xi32, #tpu.memory_space<vmem>>) semaphore(%arg14 : memref<!tpu.dma_semaphore, #tpu.memory_space<semaphore_mem>>)
    %dma_wait3A_101 = arith.constant 3 : i32
    %dma_wait3A_102 = arith.constant 0 : i32
    %dma_wait3A_103 = tpu.memref_slice %arg5[%dma_wait3A_101, %dma_wait3A_102] : memref<32x16xi32, #tpu.memory_space<vmem>> -> memref<1x16xi32, #tpu.memory_space<vmem>>
    %dma_wait3A_104 = tpu.memref_squeeze %dma_wait3A_103 : memref<1x16xi32, #tpu.memory_space<vmem>> -> memref<16xi32, #tpu.memory_space<vmem>>
    %dma_wait3A_105 = arith.constant 0 : i32
    %dma_wait3A_106 = arith.constant 0 : i32
    %dma_wait3A_107 = tpu.memref_slice %arg3[%dma_wait3A_105, %dma_wait3A_106] : memref<100000x1024xf32, #tpu.memory_space<hbm>> -> memref<100000x1024xf32, #tpu.memory_space<hbm>>
    tpu.wait_indirect_dma semaphore(%arg15 : memref<!tpu.dma_semaphore, #tpu.memory_space<semaphore_mem>>) src(%dma_wait3A_107 : memref<100000x1024xf32, #tpu.memory_space<hbm>>) dst(%arg9 : memref<16x1024xf32, #tpu.memory_space<vmem>>)
    %dma_wait3A_108 = arith.constant 0 : i32
    %dma_wait3A_109 = tpu.memref_slice %arg4[%mul3A_2, %dma_wait3A_108] : memref<16384x1024xf32, #tpu.memory_space<hbm>> -> memref<16x1024xf32, #tpu.memory_space<hbm>>
    %dma_wait3A_110 = arith.constant 0 : i32
    %dma_wait3A_111 = tpu.memref_slice %arg4[%mul3A_2, %dma_wait3A_110] : memref<16384x1024xf32, #tpu.memory_space<hbm>> -> memref<16x1024xf32, #tpu.memory_space<hbm>>
    tpu.wait_dma2 semaphore(%arg17 : memref<!tpu.dma_semaphore, #tpu.memory_space<semaphore_mem>>) src(%arg11 : memref<16x1024xf32, #tpu.memory_space<vmem>>) dst(%dma_wait3A_111 : memref<16x1024xf32, #tpu.memory_space<hbm>>)
    %parallel_loop3A_112 = arith.constant 0 : i32
    %parallel_loop3A_113 = arith.constant 1024 : i32
    %parallel_loop3A_114 = arith.constant 1 : i32
    scf.for %parallel_loop3A_142 = %parallel_loop3A_112 to %parallel_loop3A_113 step %parallel_loop3A_114  : i32 {
      %parallel_loop3A_143 = arith.constant 6 : i32
      %parallel_loop3A_144 = arith.shrsi %parallel_loop3A_142, %parallel_loop3A_143 : i32
      %parallel_loop3A_145 = arith.constant 63 : i32
      %parallel_loop3A_146 = arith.andi %parallel_loop3A_142, %parallel_loop3A_145 : i32
      %parallel_loop3A_147 = arith.constant 16 : i32
      %parallel_loop3A_148 = arith.muli %parallel_loop3A_146, %parallel_loop3A_147 : i32
      %parallel_loop3A_149 = arith.index_cast %parallel_loop3A_144 : i32 to index
      %parallel_loop3A_150 = arith.index_cast %parallel_loop3A_148 : i32 to index
      %parallel_loop3A_151 = tpu.vector_load %arg9[%parallel_loop3A_149, %parallel_loop3A_150] {strides = array<i32>} : memref<16x1024xf32, #tpu.memory_space<vmem>>, vector<1x16xf32>,
      %parallel_loop3A_152 = vector.shape_cast %parallel_loop3A_151 : vector<1x16xf32> to vector<16xf32>
      %parallel_loop3A_153 = arith.constant 3.200000e+01 : f32
      %parallel_loop3A_154 = vector.broadcast %parallel_loop3A_153 : f32 to vector<16xf32>
      %parallel_loop3A_155 = arith.mulf %parallel_loop3A_152, %parallel_loop3A_154 : vector<16xf32>
      %parallel_loop3A_156 = arith.index_cast %parallel_loop3A_144 : i32 to index
      %parallel_loop3A_157 = arith.index_cast %parallel_loop3A_148 : i32 to index
      %parallel_loop3A_158 = tpu.vector_load %arg11[%parallel_loop3A_156, %parallel_loop3A_157] {strides = array<i32>} : memref<16x1024xf32, #tpu.memory_space<vmem>>, vector<1x16xf32>,
      %parallel_loop3A_159 = vector.shape_cast %parallel_loop3A_158 : vector<1x16xf32> to vector<16xf32>
      %parallel_loop3A_160 = vector.shape_cast %parallel_loop3A_155 : vector<16xf32> to vector<1x16xf32>
      tpu.vector_store %arg11[%parallel_loop3A_156, %parallel_loop3A_157], %parallel_loop3A_160 {strides = array<i32>} : memref<16x1024xf32, #tpu.memory_space<vmem>>, vector<1x16xf32>,
    } {sc.loop_unroll_factor = 8 : i64, sc.parallel_access}
    %add3A_115 = arith.constant 48 : i32
    %add3A_116 = arith.addi %mul3A_2, %add3A_115 : i32
    %dma_start3A_117 = arith.constant 0 : i32
    %dma_start3A_118 = tpu.memref_slice %arg4[%add3A_116, %dma_start3A_117] : memref<16384x1024xf32, #tpu.memory_space<hbm>> -> memref<16x1024xf32, #tpu.memory_space<hbm>>
    %dma_start3A_119 = arith.constant 0 : i32
    %dma_start3A_120 = tpu.memref_slice %arg4[%add3A_116, %dma_start3A_119] : memref<16384x1024xf32, #tpu.memory_space<hbm>> -> memref<16x1024xf32, #tpu.memory_space<hbm>>
    tpu.enqueue_dma source(%arg11 : memref<16x1024xf32, #tpu.memory_space<vmem>>) target(%dma_start3A_120 : memref<16x1024xf32, #tpu.memory_space<hbm>>) target_semaphore(%arg17 : memref<!tpu.dma_semaphore, #tpu.memory_space<semaphore_mem>>)
    %dma_start3A_121 = arith.constant 7 : i32
    %dma_start3A_122 = arith.constant 0 : i32
    %dma_start3A_123 = tpu.memref_slice %arg5[%dma_start3A_121, %dma_start3A_122] : memref<32x16xi32, #tpu.memory_space<vmem>> -> memref<1x16xi32, #tpu.memory_space<vmem>>
    %dma_start3A_124 = tpu.memref_squeeze %dma_start3A_123 : memref<1x16xi32, #tpu.memory_space<vmem>> -> memref<16xi32, #tpu.memory_space<vmem>>
    %dma_start3A_125 = arith.constant 0 : i32
    %dma_start3A_126 = arith.constant 0 : i32
    %dma_start3A_127 = tpu.memref_slice %arg3[%dma_start3A_125, %dma_start3A_126] : memref<100000x1024xf32, #tpu.memory_space<hbm>> -> memref<100000x1024xf32, #tpu.memory_space<hbm>>
    tpu.enqueue_indirect_dma source(%dma_start3A_127 : memref<100000x1024xf32, #tpu.memory_space<hbm>>) target(%arg9 : memref<16x1024xf32, #tpu.memory_space<vmem>>) offsets(%dma_start3A_124 : memref<16xi32, #tpu.memory_space<vmem>>) semaphore(%arg15 : memref<!tpu.dma_semaphore, #tpu.memory_space<semaphore_mem>>)
    %scan3A = arith.constant 0 : i32
    %scan3A_128 = arith.constant 1 : i32
    %scan3A_129 = arith.constant 7 : i32
    %scan3A_130 = arith.addi %scan3A_128, %scan3A_129 : i32
    %scan3A_131 = arith.constant 1 : i32
    %scan3A_132 = scf.for %scan3A_142 = %scan3A_128 to %scan3A_130 step %scan3A_131 iter_args(%scan3A_143 = %scan3A) -> (i32)  : i32 {
      %mul3A_144 = arith.constant 4 : i32
      %mul3A_145 = arith.muli %scan3A_142, %mul3A_144 : i32
      %add3A_146 = arith.constant 0 : i32
      %add3A_147 = arith.addi %mul3A_145, %add3A_146 : i32
      %dma_wait3A_148 = arith.constant 0 : i32
      %dma_wait3A_149 = tpu.memref_slice %arg5[%add3A_147, %dma_wait3A_148] : memref<32x16xi32, #tpu.memory_space<vmem>> -> memref<1x16xi32, #tpu.memory_space<vmem>>
      %dma_wait3A_150 = tpu.memref_squeeze %dma_wait3A_149 : memref<1x16xi32, #tpu.memory_space<vmem>> -> memref<16xi32, #tpu.memory_space<vmem>>
      %dma_wait3A_151 = arith.constant 0 : i32
      %dma_wait3A_152 = arith.constant 0 : i32
      %dma_wait3A_153 = tpu.memref_slice %arg3[%dma_wait3A_151, %dma_wait3A_152] : memref<100000x1024xf32, #tpu.memory_space<hbm>> -> memref<100000x1024xf32, #tpu.memory_space<hbm>>
      tpu.wait_indirect_dma semaphore(%arg12 : memref<!tpu.dma_semaphore, #tpu.memory_space<semaphore_mem>>) src(%dma_wait3A_153 : memref<100000x1024xf32, #tpu.memory_space<hbm>>) dst(%arg6 : memref<16x1024xf32, #tpu.memory_space<vmem>>)
      %dma_wait3A_154 = arith.constant 0 : i32
      %dma_wait3A_155 = tpu.memref_slice %arg4[%mul3A_2, %dma_wait3A_154] : memref<16384x1024xf32, #tpu.memory_space<hbm>> -> memref<16x1024xf32, #tpu.memory_space<hbm>>
      %dma_wait3A_156 = arith.constant 0 : i32
      %dma_wait3A_157 = tpu.memref_slice %arg4[%mul3A_2, %dma_wait3A_156] : memref<16384x1024xf32, #tpu.memory_space<hbm>> -> memref<16x1024xf32, #tpu.memory_space<hbm>>
      tpu.wait_dma2 semaphore(%arg16 : memref<!tpu.dma_semaphore, #tpu.memory_space<semaphore_mem>>) src(%arg10 : memref<16x1024xf32, #tpu.memory_space<vmem>>) dst(%dma_wait3A_157 : memref<16x1024xf32, #tpu.memory_space<hbm>>)
      %parallel_loop3A_158 = arith.constant 0 : i32
      %parallel_loop3A_159 = arith.constant 1024 : i32
      %parallel_loop3A_160 = arith.constant 1 : i32
      scf.for %parallel_loop3A_266 = %parallel_loop3A_158 to %parallel_loop3A_159 step %parallel_loop3A_160  : i32 {
        %parallel_loop3A_267 = arith.constant 6 : i32
        %parallel_loop3A_268 = arith.shrsi %parallel_loop3A_266, %parallel_loop3A_267 : i32
        %parallel_loop3A_269 = arith.constant 63 : i32
        %parallel_loop3A_270 = arith.andi %parallel_loop3A_266, %parallel_loop3A_269 : i32
        %parallel_loop3A_271 = arith.constant 16 : i32
        %parallel_loop3A_272 = arith.muli %parallel_loop3A_270, %parallel_loop3A_271 : i32
        %parallel_loop3A_273 = arith.index_cast %parallel_loop3A_268 : i32 to index
        %parallel_loop3A_274 = arith.index_cast %parallel_loop3A_272 : i32 to index
        %parallel_loop3A_275 = tpu.vector_load %arg6[%parallel_loop3A_273, %parallel_loop3A_274] {strides = array<i32>} : memref<16x1024xf32, #tpu.memory_space<vmem>>, vector<1x16xf32>,
        %parallel_loop3A_276 = vector.shape_cast %parallel_loop3A_275 : vector<1x16xf32> to vector<16xf32>
        %parallel_loop3A_277 = arith.constant 3.200000e+01 : f32
        %parallel_loop3A_278 = vector.broadcast %parallel_loop3A_277 : f32 to vector<16xf32>
        %parallel_loop3A_279 = arith.mulf %parallel_loop3A_276, %parallel_loop3A_278 : vector<16xf32>
        %parallel_loop3A_280 = arith.index_cast %parallel_loop3A_268 : i32 to index
        %parallel_loop3A_281 = arith.index_cast %parallel_loop3A_272 : i32 to index
        %parallel_loop3A_282 = tpu.vector_load %arg10[%parallel_loop3A_280, %parallel_loop3A_281] {strides = array<i32>} : memref<16x1024xf32, #tpu.memory_space<vmem>>, vector<1x16xf32>,
        %parallel_loop3A_283 = vector.shape_cast %parallel_loop3A_282 : vector<1x16xf32> to vector<16xf32>
        %parallel_loop3A_284 = vector.shape_cast %parallel_loop3A_279 : vector<16xf32> to vector<1x16xf32>
        tpu.vector_store %arg10[%parallel_loop3A_280, %parallel_loop3A_281], %parallel_loop3A_284 {strides = array<i32>} : memref<16x1024xf32, #tpu.memory_space<vmem>>, vector<1x16xf32>,
      } {sc.loop_unroll_factor = 8 : i64, sc.parallel_access}
      %add3A_161 = arith.constant 4 : i32
      %add3A_162 = arith.addi %add3A_147, %add3A_161 : i32
      %lt3A = arith.constant 32 : i32
      %lt3A_163 = arith.cmpi slt, %add3A_162, %lt3A : i32
      %convert_element_type3A = arith.extui %lt3A_163 : i1 to i32
      %cond3A = arith.constant 0 : i32
      %cond3A_164 = arith.cmpi ne, %convert_element_type3A, %cond3A : i32
      scf.if %cond3A_164 {
        %dma_start3A_266 = arith.constant 0 : i32
        %dma_start3A_267 = tpu.memref_slice %arg5[%add3A_162, %dma_start3A_266] : memref<32x16xi32, #tpu.memory_space<vmem>> -> memref<1x16xi32, #tpu.memory_space<vmem>>
        %dma_start3A_268 = tpu.memref_squeeze %dma_start3A_267 : memref<1x16xi32, #tpu.memory_space<vmem>> -> memref<16xi32, #tpu.memory_space<vmem>>
        %dma_start3A_269 = arith.constant 0 : i32
        %dma_start3A_270 = arith.constant 0 : i32
        %dma_start3A_271 = tpu.memref_slice %arg3[%dma_start3A_269, %dma_start3A_270] : memref<100000x1024xf32, #tpu.memory_space<hbm>> -> memref<100000x1024xf32, #tpu.memory_space<hbm>>
        tpu.enqueue_indirect_dma source(%dma_start3A_271 : memref<100000x1024xf32, #tpu.memory_space<hbm>>) target(%arg6 : memref<16x1024xf32, #tpu.memory_space<vmem>>) offsets(%dma_start3A_268 : memref<16xi32, #tpu.memory_space<vmem>>) semaphore(%arg12 : memref<!tpu.dma_semaphore, #tpu.memory_space<semaphore_mem>>)
      } else {
      }
      %mul3A_165 = arith.constant 16 : i32
      %mul3A_166 = arith.muli %add3A_147, %mul3A_165 : i32
      %add3A_167 = arith.addi %mul3A_2, %mul3A_166 : i32
      %dma_start3A_168 = arith.constant 0 : i32
      %dma_start3A_169 = tpu.memref_slice %arg4[%add3A_167, %dma_start3A_168] : memref<16384x1024xf32, #tpu.memory_space<hbm>> -> memref<16x1024xf32, #tpu.memory_space<hbm>>
      %dma_start3A_170 = arith.constant 0 : i32
      %dma_start3A_171 = tpu.memref_slice %arg4[%add3A_167, %dma_start3A_170] : memref<16384x1024xf32, #tpu.memory_space<hbm>> -> memref<16x1024xf32, #tpu.memory_space<hbm>>
      tpu.enqueue_dma source(%arg10 : memref<16x1024xf32, #tpu.memory_space<vmem>>) target(%dma_start3A_171 : memref<16x1024xf32, #tpu.memory_space<hbm>>) target_semaphore(%arg16 : memref<!tpu.dma_semaphore, #tpu.memory_space<semaphore_mem>>)
      %mul3A_172 = arith.constant 4 : i32
      %mul3A_173 = arith.muli %scan3A_142, %mul3A_172 : i32
      %add3A_174 = arith.constant 1 : i32
      %add3A_175 = arith.addi %mul3A_173, %add3A_174 : i32
      %dma_wait3A_176 = arith.constant 0 : i32
      %dma_wait3A_177 = tpu.memref_slice %arg5[%add3A_175, %dma_wait3A_176] : memref<32x16xi32, #tpu.memory_space<vmem>> -> memref<1x16xi32, #tpu.memory_space<vmem>>
      %dma_wait3A_178 = tpu.memref_squeeze %dma_wait3A_177 : memref<1x16xi32, #tpu.memory_space<vmem>> -> memref<16xi32, #tpu.memory_space<vmem>>
      %dma_wait3A_179 = arith.constant 0 : i32
      %dma_wait3A_180 = arith.constant 0 : i32
      %dma_wait3A_181 = tpu.memref_slice %arg3[%dma_wait3A_179, %dma_wait3A_180] : memref<100000x1024xf32, #tpu.memory_space<hbm>> -> memref<100000x1024xf32, #tpu.memory_space<hbm>>
      tpu.wait_indirect_dma semaphore(%arg13 : memref<!tpu.dma_semaphore, #tpu.memory_space<semaphore_mem>>) src(%dma_wait3A_181 : memref<100000x1024xf32, #tpu.memory_space<hbm>>) dst(%arg7 : memref<16x1024xf32, #tpu.memory_space<vmem>>)
      %dma_wait3A_182 = arith.constant 0 : i32
      %dma_wait3A_183 = tpu.memref_slice %arg4[%mul3A_2, %dma_wait3A_182] : memref<16384x1024xf32, #tpu.memory_space<hbm>> -> memref<16x1024xf32, #tpu.memory_space<hbm>>
      %dma_wait3A_184 = arith.constant 0 : i32
      %dma_wait3A_185 = tpu.memref_slice %arg4[%mul3A_2, %dma_wait3A_184] : memref<16384x1024xf32, #tpu.memory_space<hbm>> -> memref<16x1024xf32, #tpu.memory_space<hbm>>
      tpu.wait_dma2 semaphore(%arg17 : memref<!tpu.dma_semaphore, #tpu.memory_space<semaphore_mem>>) src(%arg11 : memref<16x1024xf32, #tpu.memory_space<vmem>>) dst(%dma_wait3A_185 : memref<16x1024xf32, #tpu.memory_space<hbm>>)
      %parallel_loop3A_186 = arith.constant 0 : i32
      %parallel_loop3A_187 = arith.constant 1024 : i32
      %parallel_loop3A_188 = arith.constant 1 : i32
      scf.for %parallel_loop3A_266 = %parallel_loop3A_186 to %parallel_loop3A_187 step %parallel_loop3A_188  : i32 {
        %parallel_loop3A_267 = arith.constant 6 : i32
        %parallel_loop3A_268 = arith.shrsi %parallel_loop3A_266, %parallel_loop3A_267 : i32
        %parallel_loop3A_269 = arith.constant 63 : i32
        %parallel_loop3A_270 = arith.andi %parallel_loop3A_266, %parallel_loop3A_269 : i32
        %parallel_loop3A_271 = arith.constant 16 : i32
        %parallel_loop3A_272 = arith.muli %parallel_loop3A_270, %parallel_loop3A_271 : i32
        %parallel_loop3A_273 = arith.index_cast %parallel_loop3A_268 : i32 to index
        %parallel_loop3A_274 = arith.index_cast %parallel_loop3A_272 : i32 to index
        %parallel_loop3A_275 = tpu.vector_load %arg7[%parallel_loop3A_273, %parallel_loop3A_274] {strides = array<i32>} : memref<16x1024xf32, #tpu.memory_space<vmem>>, vector<1x16xf32>,
        %parallel_loop3A_276 = vector.shape_cast %parallel_loop3A_275 : vector<1x16xf32> to vector<16xf32>
        %parallel_loop3A_277 = arith.constant 3.200000e+01 : f32
        %parallel_loop3A_278 = vector.broadcast %parallel_loop3A_277 : f32 to vector<16xf32>
        %parallel_loop3A_279 = arith.mulf %parallel_loop3A_276, %parallel_loop3A_278 : vector<16xf32>
        %parallel_loop3A_280 = arith.index_cast %parallel_loop3A_268 : i32 to index
        %parallel_loop3A_281 = arith.index_cast %parallel_loop3A_272 : i32 to index
        %parallel_loop3A_282 = tpu.vector_load %arg11[%parallel_loop3A_280, %parallel_loop3A_281] {strides = array<i32>} : memref<16x1024xf32, #tpu.memory_space<vmem>>, vector<1x16xf32>,
        %parallel_loop3A_283 = vector.shape_cast %parallel_loop3A_282 : vector<1x16xf32> to vector<16xf32>
        %parallel_loop3A_284 = vector.shape_cast %parallel_loop3A_279 : vector<16xf32> to vector<1x16xf32>
        tpu.vector_store %arg11[%parallel_loop3A_280, %parallel_loop3A_281], %parallel_loop3A_284 {strides = array<i32>} : memref<16x1024xf32, #tpu.memory_space<vmem>>, vector<1x16xf32>,
      } {sc.loop_unroll_factor = 8 : i64, sc.parallel_access}
      %add3A_189 = arith.constant 4 : i32
      %add3A_190 = arith.addi %add3A_175, %add3A_189 : i32
      %lt3A_191 = arith.constant 32 : i32
      %lt3A_192 = arith.cmpi slt, %add3A_190, %lt3A_191 : i32
      %convert_element_type3A_193 = arith.extui %lt3A_192 : i1 to i32
      %cond3A_194 = arith.constant 0 : i32
      %cond3A_195 = arith.cmpi ne, %convert_element_type3A_193, %cond3A_194 : i32
      scf.if %cond3A_195 {
        %dma_start3A_266 = arith.constant 0 : i32
        %dma_start3A_267 = tpu.memref_slice %arg5[%add3A_190, %dma_start3A_266] : memref<32x16xi32, #tpu.memory_space<vmem>> -> memref<1x16xi32, #tpu.memory_space<vmem>>
        %dma_start3A_268 = tpu.memref_squeeze %dma_start3A_267 : memref<1x16xi32, #tpu.memory_space<vmem>> -> memref<16xi32, #tpu.memory_space<vmem>>
        %dma_start3A_269 = arith.constant 0 : i32
        %dma_start3A_270 = arith.constant 0 : i32
        %dma_start3A_271 = tpu.memref_slice %arg3[%dma_start3A_269, %dma_start3A_270] : memref<100000x1024xf32, #tpu.memory_space<hbm>> -> memref<100000x1024xf32, #tpu.memory_space<hbm>>
        tpu.enqueue_indirect_dma source(%dma_start3A_271 : memref<100000x1024xf32, #tpu.memory_space<hbm>>) target(%arg7 : memref<16x1024xf32, #tpu.memory_space<vmem>>) offsets(%dma_start3A_268 : memref<16xi32, #tpu.memory_space<vmem>>) semaphore(%arg13 : memref<!tpu.dma_semaphore, #tpu.memory_space<semaphore_mem>>)
      } else {
      }
      %mul3A_196 = arith.constant 16 : i32
      %mul3A_197 = arith.muli %add3A_175, %mul3A_196 : i32
      %add3A_198 = arith.addi %mul3A_2, %mul3A_197 : i32
      %dma_start3A_199 = arith.constant 0 : i32
      %dma_start3A_200 = tpu.memref_slice %arg4[%add3A_198, %dma_start3A_199] : memref<16384x1024xf32, #tpu.memory_space<hbm>> -> memref<16x1024xf32, #tpu.memory_space<hbm>>
      %dma_start3A_201 = arith.constant 0 : i32
      %dma_start3A_202 = tpu.memref_slice %arg4[%add3A_198, %dma_start3A_201] : memref<16384x1024xf32, #tpu.memory_space<hbm>> -> memref<16x1024xf32, #tpu.memory_space<hbm>>
      tpu.enqueue_dma source(%arg11 : memref<16x1024xf32, #tpu.memory_space<vmem>>) target(%dma_start3A_202 : memref<16x1024xf32, #tpu.memory_space<hbm>>) target_semaphore(%arg17 : memref<!tpu.dma_semaphore, #tpu.memory_space<semaphore_mem>>)
      %mul3A_203 = arith.constant 4 : i32
      %mul3A_204 = arith.muli %scan3A_142, %mul3A_203 : i32
      %add3A_205 = arith.constant 2 : i32
      %add3A_206 = arith.addi %mul3A_204, %add3A_205 : i32
      %dma_wait3A_207 = arith.constant 0 : i32
      %dma_wait3A_208 = tpu.memref_slice %arg5[%add3A_206, %dma_wait3A_207] : memref<32x16xi32, #tpu.memory_space<vmem>> -> memref<1x16xi32, #tpu.memory_space<vmem>>
      %dma_wait3A_209 = tpu.memref_squeeze %dma_wait3A_208 : memref<1x16xi32, #tpu.memory_space<vmem>> -> memref<16xi32, #tpu.memory_space<vmem>>
      %dma_wait3A_210 = arith.constant 0 : i32
      %dma_wait3A_211 = arith.constant 0 : i32
      %dma_wait3A_212 = tpu.memref_slice %arg3[%dma_wait3A_210, %dma_wait3A_211] : memref<100000x1024xf32, #tpu.memory_space<hbm>> -> memref<100000x1024xf32, #tpu.memory_space<hbm>>
      tpu.wait_indirect_dma semaphore(%arg14 : memref<!tpu.dma_semaphore, #tpu.memory_space<semaphore_mem>>) src(%dma_wait3A_212 : memref<100000x1024xf32, #tpu.memory_space<hbm>>) dst(%arg8 : memref<16x1024xf32, #tpu.memory_space<vmem>>)
      %dma_wait3A_213 = arith.constant 0 : i32
      %dma_wait3A_214 = tpu.memref_slice %arg4[%mul3A_2, %dma_wait3A_213] : memref<16384x1024xf32, #tpu.memory_space<hbm>> -> memref<16x1024xf32, #tpu.memory_space<hbm>>
      %dma_wait3A_215 = arith.constant 0 : i32
      %dma_wait3A_216 = tpu.memref_slice %arg4[%mul3A_2, %dma_wait3A_215] : memref<16384x1024xf32, #tpu.memory_space<hbm>> -> memref<16x1024xf32, #tpu.memory_space<hbm>>
      tpu.wait_dma2 semaphore(%arg16 : memref<!tpu.dma_semaphore, #tpu.memory_space<semaphore_mem>>) src(%arg10 : memref<16x1024xf32, #tpu.memory_space<vmem>>) dst(%dma_wait3A_216 : memref<16x1024xf32, #tpu.memory_space<hbm>>)
      %parallel_loop3A_217 = arith.constant 0 : i32
      %parallel_loop3A_218 = arith.constant 1024 : i32
      %parallel_loop3A_219 = arith.constant 1 : i32
      scf.for %parallel_loop3A_266 = %parallel_loop3A_217 to %parallel_loop3A_218 step %parallel_loop3A_219  : i32 {
        %parallel_loop3A_267 = arith.constant 6 : i32
        %parallel_loop3A_268 = arith.shrsi %parallel_loop3A_266, %parallel_loop3A_267 : i32
        %parallel_loop3A_269 = arith.constant 63 : i32
        %parallel_loop3A_270 = arith.andi %parallel_loop3A_266, %parallel_loop3A_269 : i32
        %parallel_loop3A_271 = arith.constant 16 : i32
        %parallel_loop3A_272 = arith.muli %parallel_loop3A_270, %parallel_loop3A_271 : i32
        %parallel_loop3A_273 = arith.index_cast %parallel_loop3A_268 : i32 to index
        %parallel_loop3A_274 = arith.index_cast %parallel_loop3A_272 : i32 to index
        %parallel_loop3A_275 = tpu.vector_load %arg8[%parallel_loop3A_273, %parallel_loop3A_274] {strides = array<i32>} : memref<16x1024xf32, #tpu.memory_space<vmem>>, vector<1x16xf32>,
        %parallel_loop3A_276 = vector.shape_cast %parallel_loop3A_275 : vector<1x16xf32> to vector<16xf32>
        %parallel_loop3A_277 = arith.constant 3.200000e+01 : f32
        %parallel_loop3A_278 = vector.broadcast %parallel_loop3A_277 : f32 to vector<16xf32>
        %parallel_loop3A_279 = arith.mulf %parallel_loop3A_276, %parallel_loop3A_278 : vector<16xf32>
        %parallel_loop3A_280 = arith.index_cast %parallel_loop3A_268 : i32 to index
        %parallel_loop3A_281 = arith.index_cast %parallel_loop3A_272 : i32 to index
        %parallel_loop3A_282 = tpu.vector_load %arg10[%parallel_loop3A_280, %parallel_loop3A_281] {strides = array<i32>} : memref<16x1024xf32, #tpu.memory_space<vmem>>, vector<1x16xf32>,
        %parallel_loop3A_283 = vector.shape_cast %parallel_loop3A_282 : vector<1x16xf32> to vector<16xf32>
        %parallel_loop3A_284 = vector.shape_cast %parallel_loop3A_279 : vector<16xf32> to vector<1x16xf32>
        tpu.vector_store %arg10[%parallel_loop3A_280, %parallel_loop3A_281], %parallel_loop3A_284 {strides = array<i32>} : memref<16x1024xf32, #tpu.memory_space<vmem>>, vector<1x16xf32>,
      } {sc.loop_unroll_factor = 8 : i64, sc.parallel_access}
      %add3A_220 = arith.constant 4 : i32
      %add3A_221 = arith.addi %add3A_206, %add3A_220 : i32
      %lt3A_222 = arith.constant 32 : i32
      %lt3A_223 = arith.cmpi slt, %add3A_221, %lt3A_222 : i32
      %convert_element_type3A_224 = arith.extui %lt3A_223 : i1 to i32
      %cond3A_225 = arith.constant 0 : i32
      %cond3A_226 = arith.cmpi ne, %convert_element_type3A_224, %cond3A_225 : i32
      scf.if %cond3A_226 {
        %dma_start3A_266 = arith.constant 0 : i32
        %dma_start3A_267 = tpu.memref_slice %arg5[%add3A_221, %dma_start3A_266] : memref<32x16xi32, #tpu.memory_space<vmem>> -> memref<1x16xi32, #tpu.memory_space<vmem>>
        %dma_start3A_268 = tpu.memref_squeeze %dma_start3A_267 : memref<1x16xi32, #tpu.memory_space<vmem>> -> memref<16xi32, #tpu.memory_space<vmem>>
        %dma_start3A_269 = arith.constant 0 : i32
        %dma_start3A_270 = arith.constant 0 : i32
        %dma_start3A_271 = tpu.memref_slice %arg3[%dma_start3A_269, %dma_start3A_270] : memref<100000x1024xf32, #tpu.memory_space<hbm>> -> memref<100000x1024xf32, #tpu.memory_space<hbm>>
        tpu.enqueue_indirect_dma source(%dma_start3A_271 : memref<100000x1024xf32, #tpu.memory_space<hbm>>) target(%arg8 : memref<16x1024xf32, #tpu.memory_space<vmem>>) offsets(%dma_start3A_268 : memref<16xi32, #tpu.memory_space<vmem>>) semaphore(%arg14 : memref<!tpu.dma_semaphore, #tpu.memory_space<semaphore_mem>>)
      } else {
      }
      %mul3A_227 = arith.constant 16 : i32
      %mul3A_228 = arith.muli %add3A_206, %mul3A_227 : i32
      %add3A_229 = arith.addi %mul3A_2, %mul3A_228 : i32
      %dma_start3A_230 = arith.constant 0 : i32
      %dma_start3A_231 = tpu.memref_slice %arg4[%add3A_229, %dma_start3A_230] : memref<16384x1024xf32, #tpu.memory_space<hbm>> -> memref<16x1024xf32, #tpu.memory_space<hbm>>
      %dma_start3A_232 = arith.constant 0 : i32
      %dma_start3A_233 = tpu.memref_slice %arg4[%add3A_229, %dma_start3A_232] : memref<16384x1024xf32, #tpu.memory_space<hbm>> -> memref<16x1024xf32, #tpu.memory_space<hbm>>
      tpu.enqueue_dma source(%arg10 : memref<16x1024xf32, #tpu.memory_space<vmem>>) target(%dma_start3A_233 : memref<16x1024xf32, #tpu.memory_space<hbm>>) target_semaphore(%arg16 : memref<!tpu.dma_semaphore, #tpu.memory_space<semaphore_mem>>)
      %mul3A_234 = arith.constant 4 : i32
      %mul3A_235 = arith.muli %scan3A_142, %mul3A_234 : i32
      %add3A_236 = arith.constant 3 : i32
      %add3A_237 = arith.addi %mul3A_235, %add3A_236 : i32
      %dma_wait3A_238 = arith.constant 0 : i32
      %dma_wait3A_239 = tpu.memref_slice %arg5[%add3A_237, %dma_wait3A_238] : memref<32x16xi32, #tpu.memory_space<vmem>> -> memref<1x16xi32, #tpu.memory_space<vmem>>
      %dma_wait3A_240 = tpu.memref_squeeze %dma_wait3A_239 : memref<1x16xi32, #tpu.memory_space<vmem>> -> memref<16xi32, #tpu.memory_space<vmem>>
      %dma_wait3A_241 = arith.constant 0 : i32
      %dma_wait3A_242 = arith.constant 0 : i32
      %dma_wait3A_243 = tpu.memref_slice %arg3[%dma_wait3A_241, %dma_wait3A_242] : memref<100000x1024xf32, #tpu.memory_space<hbm>> -> memref<100000x1024xf32, #tpu.memory_space<hbm>>
      tpu.wait_indirect_dma semaphore(%arg15 : memref<!tpu.dma_semaphore, #tpu.memory_space<semaphore_mem>>) src(%dma_wait3A_243 : memref<100000x1024xf32, #tpu.memory_space<hbm>>) dst(%arg9 : memref<16x1024xf32, #tpu.memory_space<vmem>>)
      %dma_wait3A_244 = arith.constant 0 : i32
      %dma_wait3A_245 = tpu.memref_slice %arg4[%mul3A_2, %dma_wait3A_244] : memref<16384x1024xf32, #tpu.memory_space<hbm>> -> memref<16x1024xf32, #tpu.memory_space<hbm>>
      %dma_wait3A_246 = arith.constant 0 : i32
      %dma_wait3A_247 = tpu.memref_slice %arg4[%mul3A_2, %dma_wait3A_246] : memref<16384x1024xf32, #tpu.memory_space<hbm>> -> memref<16x1024xf32, #tpu.memory_space<hbm>>
      tpu.wait_dma2 semaphore(%arg17 : memref<!tpu.dma_semaphore, #tpu.memory_space<semaphore_mem>>) src(%arg11 : memref<16x1024xf32, #tpu.memory_space<vmem>>) dst(%dma_wait3A_247 : memref<16x1024xf32, #tpu.memory_space<hbm>>)
      %parallel_loop3A_248 = arith.constant 0 : i32
      %parallel_loop3A_249 = arith.constant 1024 : i32
      %parallel_loop3A_250 = arith.constant 1 : i32
      scf.for %parallel_loop3A_266 = %parallel_loop3A_248 to %parallel_loop3A_249 step %parallel_loop3A_250  : i32 {
        %parallel_loop3A_267 = arith.constant 6 : i32
        %parallel_loop3A_268 = arith.shrsi %parallel_loop3A_266, %parallel_loop3A_267 : i32
        %parallel_loop3A_269 = arith.constant 63 : i32
        %parallel_loop3A_270 = arith.andi %parallel_loop3A_266, %parallel_loop3A_269 : i32
        %parallel_loop3A_271 = arith.constant 16 : i32
        %parallel_loop3A_272 = arith.muli %parallel_loop3A_270, %parallel_loop3A_271 : i32
        %parallel_loop3A_273 = arith.index_cast %parallel_loop3A_268 : i32 to index
        %parallel_loop3A_274 = arith.index_cast %parallel_loop3A_272 : i32 to index
        %parallel_loop3A_275 = tpu.vector_load %arg9[%parallel_loop3A_273, %parallel_loop3A_274] {strides = array<i32>} : memref<16x1024xf32, #tpu.memory_space<vmem>>, vector<1x16xf32>,
        %parallel_loop3A_276 = vector.shape_cast %parallel_loop3A_275 : vector<1x16xf32> to vector<16xf32>
        %parallel_loop3A_277 = arith.constant 3.200000e+01 : f32
        %parallel_loop3A_278 = vector.broadcast %parallel_loop3A_277 : f32 to vector<16xf32>
        %parallel_loop3A_279 = arith.mulf %parallel_loop3A_276, %parallel_loop3A_278 : vector<16xf32>
        %parallel_loop3A_280 = arith.index_cast %parallel_loop3A_268 : i32 to index
        %parallel_loop3A_281 = arith.index_cast %parallel_loop3A_272 : i32 to index
        %parallel_loop3A_282 = tpu.vector_load %arg11[%parallel_loop3A_280, %parallel_loop3A_281] {strides = array<i32>} : memref<16x1024xf32, #tpu.memory_space<vmem>>, vector<1x16xf32>,
        %parallel_loop3A_283 = vector.shape_cast %parallel_loop3A_282 : vector<1x16xf32> to vector<16xf32>
        %parallel_loop3A_284 = vector.shape_cast %parallel_loop3A_279 : vector<16xf32> to vector<1x16xf32>
        tpu.vector_store %arg11[%parallel_loop3A_280, %parallel_loop3A_281], %parallel_loop3A_284 {strides = array<i32>} : memref<16x1024xf32, #tpu.memory_space<vmem>>, vector<1x16xf32>,
      } {sc.loop_unroll_factor = 8 : i64, sc.parallel_access}
      %add3A_251 = arith.constant 4 : i32
      %add3A_252 = arith.addi %add3A_237, %add3A_251 : i32
      %lt3A_253 = arith.constant 32 : i32
      %lt3A_254 = arith.cmpi slt, %add3A_252, %lt3A_253 : i32
      %convert_element_type3A_255 = arith.extui %lt3A_254 : i1 to i32
      %cond3A_256 = arith.constant 0 : i32
      %cond3A_257 = arith.cmpi ne, %convert_element_type3A_255, %cond3A_256 : i32
      scf.if %cond3A_257 {
        %dma_start3A_266 = arith.constant 0 : i32
        %dma_start3A_267 = tpu.memref_slice %arg5[%add3A_252, %dma_start3A_266] : memref<32x16xi32, #tpu.memory_space<vmem>> -> memref<1x16xi32, #tpu.memory_space<vmem>>
        %dma_start3A_268 = tpu.memref_squeeze %dma_start3A_267 : memref<1x16xi32, #tpu.memory_space<vmem>> -> memref<16xi32, #tpu.memory_space<vmem>>
        %dma_start3A_269 = arith.constant 0 : i32
        %dma_start3A_270 = arith.constant 0 : i32
        %dma_start3A_271 = tpu.memref_slice %arg3[%dma_start3A_269, %dma_start3A_270] : memref<100000x1024xf32, #tpu.memory_space<hbm>> -> memref<100000x1024xf32, #tpu.memory_space<hbm>>
        tpu.enqueue_indirect_dma source(%dma_start3A_271 : memref<100000x1024xf32, #tpu.memory_space<hbm>>) target(%arg9 : memref<16x1024xf32, #tpu.memory_space<vmem>>) offsets(%dma_start3A_268 : memref<16xi32, #tpu.memory_space<vmem>>) semaphore(%arg15 : memref<!tpu.dma_semaphore, #tpu.memory_space<semaphore_mem>>)
      } else {
      }
      %mul3A_258 = arith.constant 16 : i32
      %mul3A_259 = arith.muli %add3A_237, %mul3A_258 : i32
      %add3A_260 = arith.addi %mul3A_2, %mul3A_259 : i32
      %dma_start3A_261 = arith.constant 0 : i32
      %dma_start3A_262 = tpu.memref_slice %arg4[%add3A_260, %dma_start3A_261] : memref<16384x1024xf32, #tpu.memory_space<hbm>> -> memref<16x1024xf32, #tpu.memory_space<hbm>>
      %dma_start3A_263 = arith.constant 0 : i32
      %dma_start3A_264 = tpu.memref_slice %arg4[%add3A_260, %dma_start3A_263] : memref<16384x1024xf32, #tpu.memory_space<hbm>> -> memref<16x1024xf32, #tpu.memory_space<hbm>>
      tpu.enqueue_dma source(%arg11 : memref<16x1024xf32, #tpu.memory_space<vmem>>) target(%dma_start3A_264 : memref<16x1024xf32, #tpu.memory_space<hbm>>) target_semaphore(%arg17 : memref<!tpu.dma_semaphore, #tpu.memory_space<semaphore_mem>>)
      %scan3A_265 = arith.constant 0 : i32
      scf.yield %scan3A_265 : i32
    }
    %scan3A_133 = arith.constant 7 : i32
    %dma_wait3A_134 = arith.constant 0 : i32
    %dma_wait3A_135 = tpu.memref_slice %arg4[%mul3A_2, %dma_wait3A_134] : memref<16384x1024xf32, #tpu.memory_space<hbm>> -> memref<16x1024xf32, #tpu.memory_space<hbm>>
    %dma_wait3A_136 = arith.constant 0 : i32
    %dma_wait3A_137 = tpu.memref_slice %arg4[%mul3A_2, %dma_wait3A_136] : memref<16384x1024xf32, #tpu.memory_space<hbm>> -> memref<16x1024xf32, #tpu.memory_space<hbm>>
    tpu.wait_dma2 semaphore(%arg16 : memref<!tpu.dma_semaphore, #tpu.memory_space<semaphore_mem>>) src(%arg10 : memref<16x1024xf32, #tpu.memory_space<vmem>>) dst(%dma_wait3A_137 : memref<16x1024xf32, #tpu.memory_space<hbm>>)
    %dma_wait3A_138 = arith.constant 0 : i32
    %dma_wait3A_139 = tpu.memref_slice %arg4[%mul3A_2, %dma_wait3A_138] : memref<16384x1024xf32, #tpu.memory_space<hbm>> -> memref<16x1024xf32, #tpu.memory_space<hbm>>
    %dma_wait3A_140 = arith.constant 0 : i32
    %dma_wait3A_141 = tpu.memref_slice %arg4[%mul3A_2, %dma_wait3A_140] : memref<16384x1024xf32, #tpu.memory_space<hbm>> -> memref<16x1024xf32, #tpu.memory_space<hbm>>
    tpu.wait_dma2 semaphore(%arg17 : memref<!tpu.dma_semaphore, #tpu.memory_space<semaphore_mem>>) src(%arg11 : memref<16x1024xf32, #tpu.memory_space<vmem>>) dst(%dma_wait3A_141 : memref<16x1024xf32, #tpu.memory_space<hbm>>)
    return
  }
}

</mosaic_0001>

<sc_bundles>
// kernel: kernel.3.cloned.1.call-start
scs
__scs_entry_jumppad:
0x0: {  	(pc) =	sbr.rel $0x88, $3  }
0x1: {  	(tag) =	ssettag $0x0;
	lr =	simm.s32 $0x1  }
0x2: {  	[smem:$0x3F9F] =	sst lr;
	_ =	strace $0xD0000000  }
0x3: {  	_ = 	snop  }
0x4: {  	_ = 	snop  }
0x5: {  	_ = 	snop  }
0x6: {  	_ = 	snop  }
0x7: {  	_ = 	snop  }
__scs_overlays_trampoline_lowered:
0x8: {  	[smem:$0x3FAE] =	sst s0  }
0x9: {  	[smem:$0x3FAF] =	sst s1  }
0xa: {  	[smem:$0x3FB0] =	sst s2  }
0xb: {  	[smem:$0x3FB1] =	sst s3  }
0xc: {  	[smem:$0x3FB2] =	sst s4  }
0xd: {  	[smem:$0x3FB3] =	sst s5  }
0xe: {  	[smem:$0x3FB4] =	sst s6  }
0xf: {  	[smem:$0x3FB5] =	sst s7  }
0x10: {  	[smem:$0x3FB6] =	sst s8  }
0x11: {  	[smem:$0x3FB7] =	sst s9;
	s0 =	simm.s32 @!p0 $0x0  }
0x12: {  	s1 =	sld [smem:$0x3F9D];
	s0 =	simm.s32 @p0 $0x1  }
0x13: {  	[smem:$0x3FB8] =	sst s0;
	s0 =	simm.s32 @!p1 $0x0  }
0x14: {  	s2 =	sld [smem:$0x3F9C];
	s0 =	simm.s32 @p1 $0x1  }
0x15: {  	[smem:$0x3FB9] =	sst s0;
	s0 =	simm.s32 @!p2 $0x0  }
0x16: {  	s3 =	sld [smem:$0x3FDB];
	s0 =	simm.s32 @p2 $0x1  }
0x17: {  	s4 =	simm.s32 $0x1BF5;
	[smem:$0x3FBB] =	sst s0  }
0x18: {  	s0 =	sld [smem:$0x3F9E];
	_ =	swait.ge [sflag:s4], $0x0  }
0x19: {  	s7 =	sld [smem:$0x3F9F]  }
0x1a: {  	s8 =	sadd.s32 $0xFFFFE003, lr  }
0x1b: {  	s9 =	sadd.s32 $0xFFFFFEF7, lr;
	s5 =	simm.s32 $0xFFFFFFFF;
	p2 =	slt.u32 s8, $0xFFFFF086  }
0x1c: {  	p1 =	slt.u32 s9, $0xF7A;
	s5 =	simm.s32 @!p2 $0x0  }
0x1d: {  	s5 =	simm.s32 @p1 $0x1;
	p0 =	seq.s32 s7, s2  }
0x1e: {  	s7 =	smul.u32 @!p0 $0xF7A, s2;
	p2 =	seq.s32 @!p0 s5, $0x0  }
0x1f: {  	s9 =	smul.u32 $0xF7A, s1;
	s8 =	simm.s32 @!p0 $0x1BF5;
	p2 =	por !p2, p0  }
0x20: {  	[sflag:s8] =	ssyncset.s32 @!p0 $0xFFFFF086;
	s6 =	sadd.s32 @!p0 s3, s7;
	s7 =	simm.s32 @!p0 $0x108  }
0x21: {  	s3 =	sadd.s32 s3, s9;
	s6 =	sadd.s32 @!p0 $0x88, s6;
	s7 =	simm.s32 @p2 $0x1082  }
0x22: {  	[simem:s7], [sflag:s8] =	dma.local @!p0 [hbm:s6], $0xF7A  }
0x23: {  	s9 =	sor.u32 $0xD0000000, s2;
	s6 =	simm.s32 $0x108;
	_ =	swait.ge @!p0 [sflag:s8], $0x0  }
0x24: {  	s3 =	sadd.s32 $0x88, s3;
	s6 =	simm.s32 @!p1 $0x1082;
	[sflag:s4] =	ssyncset.s32 $0xFFFFF086  }
0x25: {  	[simem:s6], [sflag:s4] =	dma.local [hbm:s3], $0xF7A  }
0x26: {  	[smem:$0x3F9F] =	sst s1;
	(tag) =	ssettag s2;
	_ =	strace s9  }
0x27: {  	s1 =	sld [smem:$0x3FAF]  }
0x28: {  	s2 =	sld [smem:$0x3FB0]  }
0x29: {  	s4 =	sld [smem:$0x3FB2]  }
0x2a: {  	p0 =	seq.s32 s5, $0x0;
	s5 =	sld [smem:$0x3FB3]  }
0x2b: {  	s6 =	sld [smem:$0x3FB4]  }
0x2c: {  	s7 =	sld [smem:$0x3FB5]  }
0x2d: {  	s3 =	simm.s32 $0x108;
	s8 =	sld [smem:$0x3FB6]  }
0x2e: {  	s3 =	simm.s32 @!p0 $0x1082;
	s9 =	sld [smem:$0x3FB7]  }
0x2f: {  	lr =	sadd.s32 s0, s3;
	s0 =	sld [smem:$0x3FAE]  }
0x30: {  	s3 =	sld [smem:$0x3FB1]  }
0x31: {  	[smem:$0x3FBA] =	sst s10  }
0x32: {  	s10 =	sld [smem:$0x3FB8];
	_ =	sdelay $0x3  }
0x33: {  	p0 =	seq.s32 s10, $0x1;
	s10 =	sld [smem:$0x3FBA];
	_ =	sdelay $0x3  }
0x34: {  	[smem:$0x3FBA] =	sst s10  }
0x35: {  	s10 =	sld [smem:$0x3FB9];
	_ =	sdelay $0x3  }
0x36: {  	p1 =	seq.s32 s10, $0x1;
	s10 =	sld [smem:$0x3FBA];
	_ =	sdelay $0x3  }
0x37: {  	[smem:$0x3FBA] =	sst s10  }
0x38: {  	s10 =	sld [smem:$0x3FBB]  }
0x39: {  	_ = 	snop;
	(pc) =	sbr.ind lr, $3  }
0x3a: {  	_ = 	snop  }
0x3b: {  	_ = 	snop  }
0x3c: {  	p2 =	seq.s32 s10, $0x1;
	s10 =	sld [smem:$0x3FBA]  }
0x3d: {  	_ =	shalt  }
0x3e: {  	_ =	shalt  }
0x3f: {  	_ =	shalt  }
0x40: {  	_ =	shalt  }
0x41: {  	_ =	shalt  }
0x42: {  	_ =	shalt  }
0x43: {  	_ =	shalt  }
0x44: {  	_ =	shalt  }
0x45: {  	_ =	shalt  }
0x46: {  	_ =	shalt  }
0x47: {  	_ =	shalt  }
0x48: {  	_ =	shalt  }
0x49: {  	_ =	shalt  }
0x4a: {  	_ =	shalt  }
0x4b: {  	_ =	shalt  }
0x4c: {  	_ =	shalt  }
0x4d: {  	_ =	shalt  }
0x4e: {  	_ =	shalt  }
0x4f: {  	_ =	shalt  }
0x50: {  	_ =	shalt  }
0x51: {  	_ =	shalt  }
0x52: {  	_ =	shalt  }
0x53: {  	_ =	shalt  }
0x54: {  	_ =	shalt  }
0x55: {  	_ =	shalt  }
0x56: {  	_ =	shalt  }
0x57: {  	_ =	shalt  }
0x58: {  	_ =	shalt  }
0x59: {  	_ =	shalt  }
0x5a: {  	_ =	shalt  }
0x5b: {  	_ =	shalt  }
0x5c: {  	_ =	shalt  }
0x5d: {  	_ =	shalt  }
0x5e: {  	_ =	shalt  }
0x5f: {  	_ =	shalt  }
0x60: {  	_ =	shalt  }
0x61: {  	_ =	shalt  }
0x62: {  	_ =	shalt  }
0x63: {  	_ =	shalt  }
0x64: {  	_ =	shalt  }
0x65: {  	_ =	shalt  }
0x66: {  	_ =	shalt  }
0x67: {  	_ =	shalt  }
0x68: {  	_ =	shalt  }
0x69: {  	_ =	shalt  }
0x6a: {  	_ =	shalt  }
0x6b: {  	_ =	shalt  }
0x6c: {  	_ =	shalt  }
0x6d: {  	_ =	shalt  }
0x6e: {  	_ =	shalt  }
0x6f: {  	_ =	shalt  }
0x70: {  	_ =	shalt  }
0x71: {  	_ =	shalt  }
0x72: {  	_ =	shalt  }
0x73: {  	_ =	shalt  }
0x74: {  	_ =	shalt  }
0x75: {  	_ =	shalt  }
0x76: {  	_ =	shalt  }
0x77: {  	_ =	shalt  }
0x78: {  	_ =	shalt  }
0x79: {  	_ =	shalt  }
0x7a: {  	_ =	shalt  }
0x7b: {  	_ =	shalt  }
0x7c: {  	_ =	shalt  }
0x7d: {  	_ =	shalt  }
0x7e: {  	_ =	shalt  }
0x7f: {  	_ =	shalt  }
0x80: {  	_ =	shalt  }
0x81: {  	_ =	shalt  }
0x82: {  	_ =	shalt  }
0x83: {  	_ =	shalt  }
0x84: {  	_ =	shalt  }
0x85: {  	_ =	shalt  }
0x86: {  	_ =	shalt  }
0x87: {  	_ =	shalt  }
.Lfunc_end0:
.L_simem_size_0:
called_computation_lowered:
.L_overlay_start_0:
0x88: {  	s2 =	sld [smem:$0x3FD9]  }
0x89: {  	s3 =	sld [smem:$0x3FFE];
	_ =	sdelay $0x1  }
0x8a: {  	s1 =	srdreg.scid  }
0x8b: {  	s0 =	sand.u32 $0x1, s1  }
0x8c: {  	s17 =	sshll.u32 s0, $0xA;
	s2 =	sadd.s32 s3, s2  }
0x8d: {  	s2 =	sadd.s32 s2, s17  }
0x8e: {  	[smem:$0x3FC6] =	sst s2  }
0x8f: {  	_ = 	snop  }
0x90: {  	s2 =	sld [smem:$0x3FC8]  }
0x91: {  	s18 =	sld [smem:$0x3FD0];
	(tm) =	ssettm $0x1  }
0x92: {  	s4 =	sld [smem:$0x3FFB];
	_ =	sdelay $0x3  }
0x93: {  	_ =	strace s4  }
0x94: {  	s4 =	sld [smem:$0x3FFC];
	_ =	sdelay $0x3  }
0x95: {  	_ =	strace s4  }
0x96: {  	s4 =	sld [smem:$0x3FFD];
	_ =	sdelay $0x3  }
0x97: {  	_ =	strace s4  }
0x98: {  	_ =	strace $0x8FFFFFFF  }
0x99: {  	s19 =	sld [smem:$0x3FDB];
	_ =	sdelay $0x1  }
0x9a: {  	s5 =	simm.s32 $_scs_section_size  }
0x9b: {  	s6 =	simm.s32 $_size__tile_overlayer_lowered;
	s7 =	simm.s32 $_tile_overlayer_lowered  }
0x9c: {  	s22 =	simm.s32 $0x1BFF;
	s21 =	sshll.u32 s7, $0x1;
	s4 =	sadd.s32 s5, s19  }
0x9d: {  	s8 =	simm.s32 $0x0;
	s20 =	sshll.u32 s6, $0x1;
	s6 =	sadd.s32 s21, s4  }
0x9e: {  	[timem:s8], [sflag:s22] =	dma.local [hbm:s6], s20  }
0x9f: {  	_ =	swait.ge [sflag:s22], s20  }
0xa0: {  	s5 =	ssub.s32 $0x0, s20;
	[sflag:s22] =	ssyncset.done $0x0  }
0xa1: {  	[sflag:s22] =	ssyncadd.s32 s5;
	_ =	sdelay $0x1  }
0xa2: {  	s23 =	simm.s32 $0x1B8B  }
0xa3: {  	_ =	swait.ge [sflag:s23], $0x1  }
0xa4: {  	[sflag:s23] =	ssyncset.done $0x0  }
0xa5: {  	s25 =	simm.s32 $0x1B8E;
	s24 =	sld [smem:$0x3FFE];
	[sflag:s23] =	ssyncadd.s32 $0xFFFFFFFF  }
0xa6: {  	s26 =	simm.s32 $execute0_lowered;
	[smem:$0x3FD2] =	sst s25  }
0xa7: {  	s6 =	sshll.u32 s26, $0x1;
	_ =	strace $0x80000046;
	[dreg:$0x1] =	wrdreg $0xFFFFFFFF  }
0xa8: {  	s28 =	simm.s32 $_size_execute0_lowered;
	s4 =	sadd.s32 s4, s6;
	[dreg:$0x0] =	wrdreg $0x0  }
0xa9: {  	s6 =	sshll.u32 s28, $0x1;
	[dreg:$0x2] =	wrdreg s4  }
0xaa: {  	[dreg:$0x3] =	wrdreg s6  }
0xab: {  	[dreg:$0x4] =	wrdreg $0xC0  }
0xac: {  	_ =	task [dreg:s8], $0x5FFFF  }
0xad: {  	[dreg:$0x1] =	wrdreg $0xFFFFFFFF  }
0xae: {  	[dreg:$0x0] =	wrdreg $0x60  }
0xaf: {  	[dreg:$0x2] =	wrdreg s24  }
0xb0: {  	[dreg:$0x3] =	wrdreg s2  }
0xb1: {  	[dreg:$0x4] =	wrdreg s18  }
0xb2: {  	[dreg:$0x5] =	wrdreg $0x9  }
0xb3: {  	_ =	task.clear_ibuf [dreg:s8], $0x6FFFF;
	_ =	strace $0x90000046  }
0xb4: {  	s29 =	simm.s32 $0x9;
	_ =	strace $0x80000048  }
0xb5: {  	_ =	swait.ge [sflag:s29], $0x1  }
0xb6: {  	[sflag:s29] =	ssyncadd.s32 $0xFFFFFFFF  }
0xb7: {  	_ =	strace $0x90000048  }
0xb8: {  	_ =	sfence  }
0xb9: {  	s30 =	sld [smem:$0x0];
	_ =	sdelay $0x2  }
0xba: {  	s31 =	sshll.u32 s1, $0xD;
	s1 =	sshrl.u32 s1, $0x2  }
0xbb: {  	s3 =	sand.u32 $0x4000, s31;
	s1 =	sadd.s32 s1, s30  }
0xbc: {  	s0 =	sor.u32 s3, s0;
	s1 =	sshll.u32 s1, $0x11  }
0xbd: {  	s0 =	sor.u32 s1, s0  }
0xbe: {  	s0 =	sadd.s32 $0x8F2B, s0  }
0xbf: {  	[sflag:s0] =	ssyncadd.remote.s32 $0x1  }
0xc0: {  	_ =	sfence.sel $0xFFFF  }
0xc1: {  	[dreg:$0x0] =	wrdreg $0xFFFFFFFF;
	(pc) =	sbr.abs _section_cstart, $3  }
0xc2: {  	[dreg:$0x1] =	wrdreg $0xFFFFFFFF  }
0xc3: {  	_ =	task.clear_ibuf [dreg:s8], $0x2FFFF;
	_ =	strace $0x9FFFFFFF  }
0xc4: {  	(tm) =	ssettm $0x7FFFFFFF  }
0xc5: {  	_ =	shalt  }
tec
execute0_lowered:
.L_overlay_start_1:
0x0: {  	(tag) =	ssettag $0x1  }
0x1: {  	s0 =	rddreg [dreg:$0x0]  }
0x2: {  	s2 =	rddreg [dreg:$0x1]  }
0x3: {  	s3 =	rddreg [dreg:$0x2];
	s1 =	srdreg.scid  }
0x4: {  	s5 =	stileid.u32;
	s4 =	simm.s32 $0x0;
	s15 =	simm.s32 $0x7  }
0x5: {  	s28 =	simm.s32 $0xF800;
	s29 =	simm.s32 $0x10000;
	s30 =	simm.s32 $0x10800  }
0x6: {  	s31 =	simm.s32 $0x1;
	s11 =	simm.s32 $0x11000;
	s12 =	simm.s32 $0x15000  }
0x7: {  	s13 =	simm.s32 $0x5;
	s1 =	sand.u32 $0x1, s1;
	s5 =	sshll.u32 s5, $0x1  }
0x8: {  	s16 =	simm.s32 $0x4;
	s14 =	simm.s32 $0x6;
	s6 =	sor.u32 s1, s5  }
0x9: {  	s17 =	simm.s32 $0x0;
	[smem:$0x7FF] =	sst s4;
	s5 =	sshll.u32 s6, $0x9  }
0xa: {  	s9 =	sadd.s32 $0x200, s2;
	s6 =	sshll.u32 s6, $0x10;
	s0 =	sadd.s32 s5, s0  }
0xb: {  	s1 =	ssub.s32 $0x2, s1;
	s8 =	sadd.s32 s3, s6;
	s0 =	sadd.s32 $0x400, s0  }
0xc: {  	_ =	strace $0x80000047;
	s23 =	sadd.s32 $0x800, s8;
	[dreg:$0x4] =	wrdreg s0  }
0xd: {  	s7 =	sshrl.u32 s1, $0x1;
	s24 =	sadd.s32 $0x1000, s8;
	[dreg:$0x5] =	wrdreg s23  }
0xe: {  	s1 =	ssub.s32 s1, s7;
	s25 =	sadd.s32 $0x1800, s8;
	[dreg:$0x6] =	wrdreg s24  }
0xf: {  	v2 =	vlaneseq.u32;
	s10 =	sadd.s32 $0x300, s2;
	s26 =	smax.u32 s1, $0x1;
	[dreg:$0x7] =	wrdreg s25  }
0x10: {  	vm0 =	vmmov $0xffff;
	v1 =	vshrl.u32 v2, $0x3;
	s7 =	sadd.s32 $0x100, s2;
	s1 =	simm.s32 $0x3;
	[dreg:$0x8] =	wrdreg s26  }
0x11: {  	v0 =	vand.u32 $0x7, v2;
	v2 =	vor.u32 $0x8, v2;
	v1 =	vmul.u32 $0x8, v1;
	s25 =	simm.s32 $0x1000;
	s26 =	simm.s32 $0x1800;
	s0 =	simm.s32 $0x2  }
.LBB2_1:
0x12: {  	s6 =	rddreg [dreg:$0x4]  }
0x13: {  	[tilespmem:s4], [sflag:$0x7] =	stream.linear.gather [hbm4b:s6+s4], $0x1000, $0x38;
	[tilespmem:$0x19000] =	vst v63  }
0x14: {  	_ =	swait.ge [sflag:s15], $0x1000  }
0x15: {  	[sflag:s15] =	ssyncset.done $0x0  }
0x16: {  	[sflag:s15] =	ssyncadd.s32 $0xFFFFF000  }
0x17: {  	v3 =	vld [tilespmem:$0x0];
	_ =	sdelay $0x4  }
0x18: {  	v4 =	vshll.u32 v3, $0x3  }
0x19: {  	v3 =	vand.u32 $0x7, v3;
	v4 =	vand.u32 $0xFFFFFFC0, v4  }
0x1a: {  	v3 =	vor.u32 v3, v4  }
0x1b: {  	v4 =	vperm.xlane v3, v0;
	_ =	sdelay $0x1  }
0x1c: {  	v4 =	vadd.s32 v1, v4;
	_ =	sdelay $0x4  }
0x1d: {  	[tilespmem:s25], [sflag:$0x1] =	stream.indirect_vreg.gather [hbm4b:s2+s4], $0x80, v4, vm0, $0xb8;
	[tilespmem:$0x19000] =	vst v63  }
0x1e: {  	v3 =	vperm.xlane v3, v2  }
0x1f: {  	[tilespmem:s26], [sflag:$0x1] =	stream.indirect_vreg.gather [hbm4b:s7+s4], $0x80, v4, vm0, $0xb8;
	[tilespmem:$0x19000] =	vst v63  }
0x20: {  	s23 =	simm.s32 $0x2000;
	v3 =	vadd.s32 v1, v3  }
0x21: {  	[tilespmem:s23], [sflag:$0x1] =	stream.indirect_vreg.gather [hbm4b:s9+s4], $0x80, v4, vm0, $0xb8;
	[tilespmem:$0x19000] =	vst v63  }
0x22: {  	s24 =	simm.s32 $0x2800  }
0x23: {  	[tilespmem:s24], [sflag:$0x1] =	stream.indirect_vreg.gather [hbm4b:s10+s4], $0x80, v4, vm0, $0xb8;
	[tilespmem:$0x19000] =	vst v63  }
0x24: {  	s18 =	simm.s32 $0x3000  }
0x25: {  	[tilespmem:s18], [sflag:$0x1] =	stream.indirect_vreg.gather [hbm4b:s2+s4], $0x80, v3, vm0, $0xb8;
	[tilespmem:$0x19000] =	vst v63  }
0x26: {  	s19 =	simm.s32 $0x3800  }
0x27: {  	[tilespmem:s19], [sflag:$0x1] =	stream.indirect_vreg.gather [hbm4b:s7+s4], $0x80, v3, vm0, $0xb8;
	[tilespmem:$0x19000] =	vst v63  }
0x28: {  	s20 =	simm.s32 $0x4000  }
0x29: {  	[tilespmem:s20], [sflag:$0x1] =	stream.indirect_vreg.gather [hbm4b:s9+s4], $0x80, v3, vm0, $0xb8;
	[tilespmem:$0x19000] =	vst v63  }
0x2a: {  	s21 =	simm.s32 $0x4800  }
0x2b: {  	[tilespmem:s21], [sflag:$0x1] =	stream.indirect_vreg.gather [hbm4b:s10+s4], $0x80, v3, vm0, $0xb8;
	[tilespmem:$0x19000] =	vst v63  }
0x2c: {  	v3 =	vld [tilespmem:$0x80];
	_ =	sdelay $0x4  }
0x2d: {  	v4 =	vshll.u32 v3, $0x3  }
0x2e: {  	v3 =	vand.u32 $0x7, v3;
	v4 =	vand.u32 $0xFFFFFFC0, v4  }
0x2f: {  	v3 =	vor.u32 v3, v4  }
0x30: {  	v4 =	vperm.xlane v3, v0;
	_ =	sdelay $0x1  }
0x31: {  	v4 =	vadd.s32 v1, v4;
	_ =	sdelay $0x3  }
0x32: {  	s22 =	simm.s32 $0x5000  }
0x33: {  	[tilespmem:s22], [sflag:$0x2] =	stream.indirect_vreg.gather [hbm4b:s2+s4], $0x80, v4, vm0, $0xb8;
	[tilespmem:$0x19000] =	vst v63  }
0x34: {  	s23 =	simm.s32 $0x5800;
	v3 =	vperm.xlane v3, v2  }
0x35: {  	[tilespmem:s23], [sflag:$0x2] =	stream.indirect_vreg.gather [hbm4b:s7+s4], $0x80, v4, vm0, $0xb8;
	[tilespmem:$0x19000] =	vst v63  }
0x36: {  	s24 =	simm.s32 $0x6000;
	v3 =	vadd.s32 v1, v3  }
0x37: {  	[tilespmem:s24], [sflag:$0x2] =	stream.indirect_vreg.gather [hbm4b:s9+s4], $0x80, v4, vm0, $0xb8;
	[tilespmem:$0x19000] =	vst v63  }
0x38: {  	s18 =	simm.s32 $0x6800  }
0x39: {  	[tilespmem:s18], [sflag:$0x2] =	stream.indirect_vreg.gather [hbm4b:s10+s4], $0x80, v4, vm0, $0xb8;
	[tilespmem:$0x19000] =	vst v63  }
0x3a: {  	s19 =	simm.s32 $0x7000  }
0x3b: {  	[tilespmem:s19], [sflag:$0x2] =	stream.indirect_vreg.gather [hbm4b:s2+s4], $0x80, v3, vm0, $0xb8;
	[tilespmem:$0x19000] =	vst v63  }
0x3c: {  	s20 =	simm.s32 $0x7800  }
0x3d: {  	[tilespmem:s20], [sflag:$0x2] =	stream.indirect_vreg.gather [hbm4b:s7+s4], $0x80, v3, vm0, $0xb8;
	[tilespmem:$0x19000] =	vst v63  }
0x3e: {  	s21 =	simm.s32 $0x8000  }
0x3f: {  	[tilespmem:s21], [sflag:$0x2] =	stream.indirect_vreg.gather [hbm4b:s9+s4], $0x80, v3, vm0, $0xb8;
	[tilespmem:$0x19000] =	vst v63  }
0x40: {  	s22 =	simm.s32 $0x8800  }
0x41: {  	[tilespmem:s22], [sflag:$0x2] =	stream.indirect_vreg.gather [hbm4b:s10+s4], $0x80, v3, vm0, $0xb8;
	[tilespmem:$0x19000] =	vst v63  }
0x42: {  	v3 =	vld [tilespmem:$0x100];
	_ =	sdelay $0x4  }
0x43: {  	v4 =	vshll.u32 v3, $0x3  }
0x44: {  	v3 =	vand.u32 $0x7, v3;
	v4 =	vand.u32 $0xFFFFFFC0, v4  }
0x45: {  	v3 =	vor.u32 v3, v4  }
0x46: {  	v4 =	vperm.xlane v3, v0;
	_ =	sdelay $0x1  }
0x47: {  	v4 =	vadd.s32 v1, v4;
	_ =	sdelay $0x3  }
0x48: {  	s23 =	simm.s32 $0x9000  }
0x49: {  	[tilespmem:s23], [sflag:$0x3] =	stream.indirect_vreg.gather [hbm4b:s2+s4], $0x80, v4, vm0, $0xb8;
	[tilespmem:$0x19000] =	vst v63  }
0x4a: {  	s24 =	simm.s32 $0x9800;
	v3 =	vperm.xlane v3, v2  }
0x4b: {  	[tilespmem:s24], [sflag:$0x3] =	stream.indirect_vreg.gather [hbm4b:s7+s4], $0x80, v4, vm0, $0xb8;
	[tilespmem:$0x19000] =	vst v63  }
0x4c: {  	s18 =	simm.s32 $0xA000;
	v3 =	vadd.s32 v1, v3  }
0x4d: {  	[tilespmem:s18], [sflag:$0x3] =	stream.indirect_vreg.gather [hbm4b:s9+s4], $0x80, v4, vm0, $0xb8;
	[tilespmem:$0x19000] =	vst v63  }
0x4e: {  	s19 =	simm.s32 $0xA800  }
0x4f: {  	[tilespmem:s19], [sflag:$0x3] =	stream.indirect_vreg.gather [hbm4b:s10+s4], $0x80, v4, vm0, $0xb8;
	[tilespmem:$0x19000] =	vst v63  }
0x50: {  	s20 =	simm.s32 $0xB000  }
0x51: {  	[tilespmem:s20], [sflag:$0x3] =	stream.indirect_vreg.gather [hbm4b:s2+s4], $0x80, v3, vm0, $0xb8;
	[tilespmem:$0x19000] =	vst v63  }
0x52: {  	s21 =	simm.s32 $0xB800  }
0x53: {  	[tilespmem:s21], [sflag:$0x3] =	stream.indirect_vreg.gather [hbm4b:s7+s4], $0x80, v3, vm0, $0xb8;
	[tilespmem:$0x19000] =	vst v63  }
0x54: {  	s22 =	simm.s32 $0xC000  }
0x55: {  	[tilespmem:s22], [sflag:$0x3] =	stream.indirect_vreg.gather [hbm4b:s9+s4], $0x80, v3, vm0, $0xb8;
	[tilespmem:$0x19000] =	vst v63  }
0x56: {  	s23 =	simm.s32 $0xC800  }
0x57: {  	[tilespmem:s23], [sflag:$0x3] =	stream.indirect_vreg.gather [hbm4b:s10+s4], $0x80, v3, vm0, $0xb8;
	[tilespmem:$0x19000] =	vst v63  }
0x58: {  	v3 =	vld [tilespmem:$0x180];
	_ =	sdelay $0x4  }
0x59: {  	v4 =	vshll.u32 v3, $0x3  }
0x5a: {  	v3 =	vand.u32 $0x7, v3;
	v4 =	vand.u32 $0xFFFFFFC0, v4  }
0x5b: {  	v3 =	vor.u32 v3, v4  }
0x5c: {  	v4 =	vperm.xlane v3, v0;
	_ =	sdelay $0x1  }
0x5d: {  	v4 =	vadd.s32 v1, v4;
	_ =	sdelay $0x3  }
0x5e: {  	s24 =	simm.s32 $0xD000  }
0x5f: {  	[tilespmem:s24], [sflag:$0x4] =	stream.indirect_vreg.gather [hbm4b:s2+s4], $0x80, v4, vm0, $0xb8;
	[tilespmem:$0x19000] =	vst v63  }
0x60: {  	s18 =	simm.s32 $0xD800;
	v3 =	vperm.xlane v3, v2  }
0x61: {  	[tilespmem:s18], [sflag:$0x4] =	stream.indirect_vreg.gather [hbm4b:s7+s4], $0x80, v4, vm0, $0xb8;
	[tilespmem:$0x19000] =	vst v63  }
0x62: {  	s19 =	simm.s32 $0xE000;
	v3 =	vadd.s32 v1, v3  }
0x63: {  	[tilespmem:s19], [sflag:$0x4] =	stream.indirect_vreg.gather [hbm4b:s9+s4], $0x80, v4, vm0, $0xb8;
	[tilespmem:$0x19000] =	vst v63  }
0x64: {  	s20 =	simm.s32 $0xE800  }
0x65: {  	[tilespmem:s20], [sflag:$0x4] =	stream.indirect_vreg.gather [hbm4b:s10+s4], $0x80, v4, vm0, $0xb8;
	[tilespmem:$0x19000] =	vst v63  }
0x66: {  	s21 =	simm.s32 $0xF000  }
0x67: {  	[tilespmem:s21], [sflag:$0x4] =	stream.indirect_vreg.gather [hbm4b:s2+s4], $0x80, v3, vm0, $0xb8;
	[tilespmem:$0x19000] =	vst v63  }
0x68: {  	_ = 	snop  }
0x69: {  	[tilespmem:s28], [sflag:$0x4] =	stream.indirect_vreg.gather [hbm4b:s7+s4], $0x80, v3, vm0, $0xb8;
	[tilespmem:$0x19000] =	vst v63  }
0x6a: {  	s18 =	simm.s32 $0x0  }
0x6b: {  	[tilespmem:s29], [sflag:$0x4] =	stream.indirect_vreg.gather [hbm4b:s9+s4], $0x80, v3, vm0, $0xb8;
	[tilespmem:$0x19000] =	vst v63  }
0x6c: {  	s18 =	sand.u32 $0x2000, s18  }
0x6d: {  	[tilespmem:s30], [sflag:$0x4] =	stream.indirect_vreg.gather [hbm4b:s10+s4], $0x80, v3, vm0, $0xb8;
	[tilespmem:$0x19000] =	vst v63  }
0x6e: {  	s19 =	sand.u32 $0x1C00, s4;
	s20 =	simm.s32 $0x0;
	_ =	swait.ge [sflag:s31], $0x4000  }
0x6f: {  	s18 =	sor.u32 s19, s18;
	s22 =	sand.u32 $0x380, s20;
	[sflag:s31] =	ssyncset.done $0x0  }
0x70: {  	s19 =	sor.u32 s22, s18;
	[sflag:s31] =	ssyncadd.s32 $0xFFFFC000  }
0x71: {  	v3 =	vld [tilespmem:s19+$0x1070]  }
0x72: {  	v4 =	vld [tilespmem:s19+$0x1000]  }
0x73: {  	v5 =	vld [tilespmem:s19+$0x1010]  }
0x74: {  	v6 =	vld [tilespmem:s19+$0x1020]  }
0x75: {  	s23 =	simm.s32 $0x80;
	s20 =	simm.s32 $0x400;
	v8 =	vld [tilespmem:s19+$0x1030]  }
0x76: {  	s18 =	sand.u32 $0x2000, s23;
	s21 =	sand.u32 $0x1C00, s20;
	s22 =	simm.s32 $0x10;
	v10 =	vld [tilespmem:s19+$0x1040];
	v3 =	vmul.f32 $3.200000000e+01, v3  }
0x77: {  	s18 =	sor.u32 s21, s18;
	s24 =	sand.u32 $0x380, s22;
	v7 =	vld [tilespmem:s19+$0x1050];
	v4 =	vmul.f32 $3.200000000e+01, v4  }
0x78: {  	s18 =	sor.u32 s24, s18;
	v9 =	vmul.f32 $3.200000000e+01, v5;
	v5 =	vld [tilespmem:s19+$0x1060];
	[tilespmem:s19+$0x11070] =	vst v3  }
0x79: {  	v11 =	vmul.f32 $3.200000000e+01, v6;
	v3 =	vld [tilespmem:s18+$0x1070];
	[tilespmem:s19+$0x11000] =	vst v4  }
0x7a: {  	v4 =	vld [tilespmem:s18+$0x1000];
	[tilespmem:s19+$0x11010] =	vst v9;
	v9 =	vmul.f32 $3.200000000e+01, v8  }
0x7b: {  	s21 =	simm.s32 $0x8;
	v6 =	vld [tilespmem:s18+$0x1010];
	[tilespmem:s19+$0x11020] =	vst v11;
	v8 =	vmul.f32 $3.200000000e+01, v10  }
.LBB2_2:
0x7c: {  	s21 =	sadd.s32 $0x8, s21;
	v10 =	vld [tilespmem:s18+$0x1020];
	[tilespmem:s19+$0x11030] =	vst v9;
	v7 =	vmul.f32 $3.200000000e+01, v7  }
0x7d: {  	s20 =	sadd.s32 $0x400, s20;
	s22 =	sshll.u32 s21, $0x4;
	p0 =	slt.u32 s21, $0x3F8;
	v9 =	vld [tilespmem:s18+$0x1030];
	[tilespmem:s19+$0x11040] =	vst v8;
	v5 =	vmul.f32 $3.200000000e+01, v5  }
0x7e: {  	s23 =	sand.u32 $0x1C00, s20;
	s24 =	sshll.u32 s21, $0x1;
	s22 =	sand.u32 $0x2000, s22;
	v8 =	vld [tilespmem:s18+$0x1040];
	v3 =	vmul.f32 $3.200000000e+01, v3;
	[tilespmem:s19+$0x11050] =	vst v7  }
.Ltmp0:
0x7f: {  	s22 =	sor.u32 s23, s22;
	s23 =	sand.u32 $0x380, s24;
	v4 =	vmul.f32 $3.200000000e+01, v4;
	v7 =	vld [tilespmem:s18+$0x1050];
	[tilespmem:s19+$0x11060] =	vst v5;
	(pc) =	sbr.rel @p0 .LBB2_2-.Ltmp0, $4  }
0x80: {  	s19 =	smov.u32 s18;
	v6 =	vmul.f32 $3.200000000e+01, v6;
	v5 =	vld [tilespmem:s18+$0x1060];
	[tilespmem:s18+$0x11070] =	vst v3;
	s18 =	sor.u32 s23, s22  }
0x81: {  	v3 =	vld [tilespmem:s18+$0x1070];
	[tilespmem:s19+$0x11000] =	vst v4;
	v10 =	vmul.f32 $3.200000000e+01, v10  }
0x82: {  	v4 =	vld [tilespmem:s18+$0x1000];
	[tilespmem:s19+$0x11010] =	vst v6;
	v9 =	vmul.f32 $3.200000000e+01, v9  }
0x83: {  	v6 =	vld [tilespmem:s18+$0x1010];
	[tilespmem:s19+$0x11020] =	vst v10;
	v8 =	vmul.f32 $3.200000000e+01, v8  }
0x84: {  	v10 =	vld [tilespmem:s18+$0x1020];
	[tilespmem:s19+$0x11030] =	vst v9;
	v7 =	vmul.f32 $3.200000000e+01, v7  }
0x85: {  	v9 =	vld [tilespmem:s18+$0x1030];
	[tilespmem:s19+$0x11040] =	vst v8;
	v5 =	vmul.f32 $3.200000000e+01, v5  }
0x86: {  	v8 =	vld [tilespmem:s18+$0x1040];
	v3 =	vmul.f32 $3.200000000e+01, v3;
	[tilespmem:s19+$0x11050] =	vst v7  }
0x87: {  	v7 =	vld [tilespmem:s18+$0x1050];
	v4 =	vmul.f32 $3.200000000e+01, v4;
	[tilespmem:s19+$0x11060] =	vst v5  }
0x88: {  	v5 =	vmul.f32 $3.200000000e+01, v6;
	v6 =	vld [tilespmem:s18+$0x1060];
	[tilespmem:s18+$0x11070] =	vst v3  }
0x89: {  	[tilespmem:s18+$0x11000] =	vst v4;
	v3 =	vmul.f32 $3.200000000e+01, v10  }
0x8a: {  	v4 =	vmul.f32 $3.200000000e+01, v9;
	[tilespmem:s18+$0x11010] =	vst v5  }
0x8b: {  	[tilespmem:s18+$0x11020] =	vst v3;
	v3 =	vmul.f32 $3.200000000e+01, v8  }
0x8c: {  	[tilespmem:s18+$0x11030] =	vst v4;
	v4 =	vmul.f32 $3.200000000e+01, v7  }
0x8d: {  	[tilespmem:s18+$0x11040] =	vst v3;
	v3 =	vmul.f32 $3.200000000e+01, v6  }
0x8e: {  	[tilespmem:s18+$0x11050] =	vst v4  }
0x8f: {  	s24 =	simm.s32 $0x0;
	[tilespmem:s18+$0x11060] =	vst v3  }
0x90: {  	[hbm4b:s8+s24] =	stream.linear.scatter [tilespmem:s11], [sflag:$0x5], $0x4000, $0x38;
	[tilespmem:$0x19000] =	vst v63  }
0x91: {  	v3 =	vld [tilespmem:$0x200];
	_ =	sdelay $0x4  }
0x92: {  	v4 =	vshll.u32 v3, $0x3  }
0x93: {  	v3 =	vand.u32 $0x7, v3;
	v4 =	vand.u32 $0xFFFFFFC0, v4  }
0x94: {  	v3 =	vor.u32 v3, v4  }
0x95: {  	v4 =	vperm.xlane v3, v0;
	_ =	sdelay $0x1  }
0x96: {  	v4 =	vadd.s32 v1, v4;
	_ =	sdelay $0x4  }
0x97: {  	[tilespmem:s25], [sflag:$0x1] =	stream.indirect_vreg.gather [hbm4b:s2+s24], $0x80, v4, vm0, $0xb8;
	[tilespmem:$0x19000] =	vst v63  }
0x98: {  	v3 =	vperm.xlane v3, v2  }
0x99: {  	[tilespmem:s26], [sflag:$0x1] =	stream.indirect_vreg.gather [hbm4b:s7+s24], $0x80, v4, vm0, $0xb8;
	[tilespmem:$0x19000] =	vst v63  }
0x9a: {  	s6 =	simm.s32 $0x2000;
	v3 =	vadd.s32 v1, v3  }
0x9b: {  	[tilespmem:s6], [sflag:$0x1] =	stream.indirect_vreg.gather [hbm4b:s9+s24], $0x80, v4, vm0, $0xb8;
	[tilespmem:$0x19000] =	vst v63  }
0x9c: {  	s26 =	simm.s32 $0x2800  }
0x9d: {  	[tilespmem:s26], [sflag:$0x1] =	stream.indirect_vreg.gather [hbm4b:s10+s24], $0x80, v4, vm0, $0xb8;
	[tilespmem:$0x19000] =	vst v63  }
0x9e: {  	s19 =	simm.s32 $0x3000  }
0x9f: {  	[tilespmem:s19], [sflag:$0x1] =	stream.indirect_vreg.gather [hbm4b:s2+s24], $0x80, v3, vm0, $0xb8;
	[tilespmem:$0x19000] =	vst v63  }
0xa0: {  	s20 =	simm.s32 $0x3800  }
0xa1: {  	[tilespmem:s20], [sflag:$0x1] =	stream.indirect_vreg.gather [hbm4b:s7+s24], $0x80, v3, vm0, $0xb8;
	[tilespmem:$0x19000] =	vst v63  }
0xa2: {  	s21 =	simm.s32 $0x4000  }
0xa3: {  	[tilespmem:s21], [sflag:$0x1] =	stream.indirect_vreg.gather [hbm4b:s9+s24], $0x80, v3, vm0, $0xb8;
	[tilespmem:$0x19000] =	vst v63  }
0xa4: {  	s22 =	simm.s32 $0x4800;
	s23 =	simm.s32 $0x0;
	s18 =	sand.u32 $0x1C00, s24  }
0xa5: {  	[tilespmem:s22], [sflag:$0x1] =	stream.indirect_vreg.gather [hbm4b:s10+s24], $0x80, v3, vm0, $0xb8;
	[tilespmem:$0x19000] =	vst v63  }
0xa6: {  	s19 =	sand.u32 $0x2000, s23;
	s20 =	simm.s32 $0x0;
	_ =	swait.ge [sflag:s0], $0x4000  }
0xa7: {  	s18 =	sor.u32 s18, s19;
	s24 =	sand.u32 $0x380, s20;
	[sflag:s0] =	ssyncset.done $0x0  }
0xa8: {  	s19 =	sor.u32 s24, s18;
	[sflag:s0] =	ssyncadd.s32 $0xFFFFC000  }
0xa9: {  	v3 =	vld [tilespmem:s19+$0x5070]  }
0xaa: {  	v4 =	vld [tilespmem:s19+$0x5000]  }
0xab: {  	v5 =	vld [tilespmem:s19+$0x5010]  }
0xac: {  	v6 =	vld [tilespmem:s19+$0x5020]  }
0xad: {  	s25 =	simm.s32 $0x80;
	s20 =	simm.s32 $0x400;
	v8 =	vld [tilespmem:s19+$0x5030]  }
0xae: {  	s22 =	simm.s32 $0x10;
	s18 =	sand.u32 $0x2000, s25;
	s21 =	sand.u32 $0x1C00, s20;
	v10 =	vld [tilespmem:s19+$0x5040];
	v3 =	vmul.f32 $3.200000000e+01, v3  }
0xaf: {  	s26 =	sand.u32 $0x380, s22;
	s18 =	sor.u32 s21, s18;
	v7 =	vld [tilespmem:s19+$0x5050];
	v4 =	vmul.f32 $3.200000000e+01, v4  }
0xb0: {  	s18 =	sor.u32 s26, s18;
	v9 =	vmul.f32 $3.200000000e+01, v5;
	v5 =	vld [tilespmem:s19+$0x5060];
	[tilespmem:s19+$0x15070] =	vst v3  }
0xb1: {  	v11 =	vmul.f32 $3.200000000e+01, v6;
	v3 =	vld [tilespmem:s18+$0x5070];
	[tilespmem:s19+$0x15000] =	vst v4  }
0xb2: {  	v4 =	vld [tilespmem:s18+$0x5000];
	[tilespmem:s19+$0x15010] =	vst v9;
	v9 =	vmul.f32 $3.200000000e+01, v8  }
0xb3: {  	s21 =	simm.s32 $0x8;
	v6 =	vld [tilespmem:s18+$0x5010];
	[tilespmem:s19+$0x15020] =	vst v11;
	v8 =	vmul.f32 $3.200000000e+01, v10  }
.LBB2_4:
0xb4: {  	s21 =	sadd.s32 $0x8, s21;
	v10 =	vld [tilespmem:s18+$0x5020];
	[tilespmem:s19+$0x15030] =	vst v9;
	v7 =	vmul.f32 $3.200000000e+01, v7  }
0xb5: {  	s20 =	sadd.s32 $0x400, s20;
	s22 =	sshll.u32 s21, $0x4;
	p0 =	slt.u32 s21, $0x3F8;
	v9 =	vld [tilespmem:s18+$0x5030];
	[tilespmem:s19+$0x15040] =	vst v8;
	v5 =	vmul.f32 $3.200000000e+01, v5  }
0xb6: {  	s23 =	sand.u32 $0x1C00, s20;
	s24 =	sshll.u32 s21, $0x1;
	s22 =	sand.u32 $0x2000, s22;
	v8 =	vld [tilespmem:s18+$0x5040];
	v3 =	vmul.f32 $3.200000000e+01, v3;
	[tilespmem:s19+$0x15050] =	vst v7  }
.Ltmp1:
0xb7: {  	s22 =	sor.u32 s23, s22;
	s23 =	sand.u32 $0x380, s24;
	v4 =	vmul.f32 $3.200000000e+01, v4;
	v7 =	vld [tilespmem:s18+$0x5050];
	[tilespmem:s19+$0x15060] =	vst v5;
	(pc) =	sbr.rel @p0 .LBB2_4-.Ltmp1, $4  }
0xb8: {  	s19 =	smov.u32 s18;
	v6 =	vmul.f32 $3.200000000e+01, v6;
	v5 =	vld [tilespmem:s18+$0x5060];
	[tilespmem:s18+$0x15070] =	vst v3;
	s18 =	sor.u32 s23, s22  }
0xb9: {  	v3 =	vld [tilespmem:s18+$0x5070];
	[tilespmem:s19+$0x15000] =	vst v4;
	v10 =	vmul.f32 $3.200000000e+01, v10  }
0xba: {  	v4 =	vld [tilespmem:s18+$0x5000];
	[tilespmem:s19+$0x15010] =	vst v6;
	v9 =	vmul.f32 $3.200000000e+01, v9  }
0xbb: {  	v6 =	vld [tilespmem:s18+$0x5010];
	[tilespmem:s19+$0x15020] =	vst v10;
	v8 =	vmul.f32 $3.200000000e+01, v8  }
0xbc: {  	v10 =	vld [tilespmem:s18+$0x5020];
	[tilespmem:s19+$0x15030] =	vst v9;
	v7 =	vmul.f32 $3.200000000e+01, v7  }
0xbd: {  	v9 =	vld [tilespmem:s18+$0x5030];
	[tilespmem:s19+$0x15040] =	vst v8;
	v5 =	vmul.f32 $3.200000000e+01, v5  }
0xbe: {  	v8 =	vld [tilespmem:s18+$0x5040];
	v3 =	vmul.f32 $3.200000000e+01, v3;
	[tilespmem:s19+$0x15050] =	vst v7  }
0xbf: {  	v7 =	vld [tilespmem:s18+$0x5050];
	v4 =	vmul.f32 $3.200000000e+01, v4;
	[tilespmem:s19+$0x15060] =	vst v5  }
0xc0: {  	v5 =	vmul.f32 $3.200000000e+01, v6;
	v6 =	vld [tilespmem:s18+$0x5060];
	[tilespmem:s18+$0x15070] =	vst v3  }
0xc1: {  	[tilespmem:s18+$0x15000] =	vst v4;
	v3 =	vmul.f32 $3.200000000e+01, v10  }
0xc2: {  	v4 =	vmul.f32 $3.200000000e+01, v9;
	[tilespmem:s18+$0x15010] =	vst v5  }
0xc3: {  	[tilespmem:s18+$0x15020] =	vst v3;
	v3 =	vmul.f32 $3.200000000e+01, v8  }
0xc4: {  	[tilespmem:s18+$0x15030] =	vst v4;
	v4 =	vmul.f32 $3.200000000e+01, v7  }
0xc5: {  	[tilespmem:s18+$0x15040] =	vst v3;
	v3 =	vmul.f32 $3.200000000e+01, v6  }
0xc6: {  	[tilespmem:s18+$0x15050] =	vst v4  }
0xc7: {  	[tilespmem:s18+$0x15060] =	vst v3  }
0xc8: {  	s18 =	simm.s32 $0x0;
	s6 =	rddreg [dreg:$0x5]  }
0xc9: {  	[hbm4b:s6+s18] =	stream.linear.scatter [tilespmem:s12], [sflag:$0x6], $0x4000, $0x38;
	[tilespmem:$0x19000] =	vst v63  }
0xca: {  	v3 =	vld [tilespmem:$0x280];
	_ =	sdelay $0x4  }
0xcb: {  	v4 =	vshll.u32 v3, $0x3  }
0xcc: {  	v3 =	vand.u32 $0x7, v3;
	v4 =	vand.u32 $0xFFFFFFC0, v4  }
0xcd: {  	v3 =	vor.u32 v3, v4  }
0xce: {  	v4 =	vperm.xlane v3, v0;
	_ =	sdelay $0x1  }
0xcf: {  	v4 =	vadd.s32 v1, v4;
	_ =	sdelay $0x3  }
0xd0: {  	s23 =	simm.s32 $0x5000  }
0xd1: {  	[tilespmem:s23], [sflag:$0x2] =	stream.indirect_vreg.gather [hbm4b:s2+s18], $0x80, v4, vm0, $0xb8;
	[tilespmem:$0x19000] =	vst v63  }
0xd2: {  	s24 =	simm.s32 $0x5800;
	v3 =	vperm.xlane v3, v2  }
0xd3: {  	[tilespmem:s24], [sflag:$0x2] =	stream.indirect_vreg.gather [hbm4b:s7+s18], $0x80, v4, vm0, $0xb8;
	[tilespmem:$0x19000] =	vst v63  }
0xd4: {  	s25 =	simm.s32 $0x6000;
	v3 =	vadd.s32 v1, v3  }
0xd5: {  	[tilespmem:s25], [sflag:$0x2] =	stream.indirect_vreg.gather [hbm4b:s9+s18], $0x80, v4, vm0, $0xb8;
	[tilespmem:$0x19000] =	vst v63  }
0xd6: {  	s26 =	simm.s32 $0x6800  }
0xd7: {  	[tilespmem:s26], [sflag:$0x2] =	stream.indirect_vreg.gather [hbm4b:s10+s18], $0x80, v4, vm0, $0xb8;
	[tilespmem:$0x19000] =	vst v63  }
0xd8: {  	s19 =	simm.s32 $0x7000  }
0xd9: {  	[tilespmem:s19], [sflag:$0x2] =	stream.indirect_vreg.gather [hbm4b:s2+s18], $0x80, v3, vm0, $0xb8;
	[tilespmem:$0x19000] =	vst v63  }
0xda: {  	s20 =	simm.s32 $0x7800  }
0xdb: {  	[tilespmem:s20], [sflag:$0x2] =	stream.indirect_vreg.gather [hbm4b:s7+s18], $0x80, v3, vm0, $0xb8;
	[tilespmem:$0x19000] =	vst v63  }
0xdc: {  	s21 =	simm.s32 $0x8000  }
0xdd: {  	[tilespmem:s21], [sflag:$0x2] =	stream.indirect_vreg.gather [hbm4b:s9+s18], $0x80, v3, vm0, $0xb8;
	[tilespmem:$0x19000] =	vst v63  }
0xde: {  	s22 =	simm.s32 $0x8800  }
0xdf: {  	[tilespmem:s22], [sflag:$0x2] =	stream.indirect_vreg.gather [hbm4b:s10+s18], $0x80, v3, vm0, $0xb8;
	[tilespmem:$0x19000] =	vst v63  }
0xe0: {  	_ =	swait.ge [sflag:s1], $0x4000  }
0xe1: {  	s23 =	simm.s32 $0x0;
	[sflag:s1] =	ssyncset.done $0x0  }
0xe2: {  	s19 =	sand.u32 $0x2000, s23;
	[sflag:s1] =	ssyncadd.s32 $0xFFFFC000  }
0xe3: {  	s20 =	simm.s32 $0x0;
	s18 =	sand.u32 $0x1C00, s18;
	_ =	swait.ge [sflag:s13], $0x4000  }
0xe4: {  	s24 =	sand.u32 $0x380, s20;
	s18 =	sor.u32 s18, s19;
	[sflag:s13] =	ssyncset.done $0x0  }
0xe5: {  	s19 =	sor.u32 s24, s18;
	[sflag:s13] =	ssyncadd.s32 $0xFFFFC000  }
0xe6: {  	v3 =	vld [tilespmem:s19+$0x9070]  }
0xe7: {  	v4 =	vld [tilespmem:s19+$0x9000]  }
0xe8: {  	v5 =	vld [tilespmem:s19+$0x9010]  }
0xe9: {  	v6 =	vld [tilespmem:s19+$0x9020]  }
0xea: {  	s25 =	simm.s32 $0x80;
	s20 =	simm.s32 $0x400;
	v8 =	vld [tilespmem:s19+$0x9030]  }
0xeb: {  	s21 =	sand.u32 $0x1C00, s20;
	s22 =	simm.s32 $0x10;
	s18 =	sand.u32 $0x2000, s25;
	v10 =	vld [tilespmem:s19+$0x9040];
	v3 =	vmul.f32 $3.200000000e+01, v3  }
0xec: {  	s26 =	sand.u32 $0x380, s22;
	s18 =	sor.u32 s21, s18;
	v7 =	vld [tilespmem:s19+$0x9050];
	v4 =	vmul.f32 $3.200000000e+01, v4  }
0xed: {  	s18 =	sor.u32 s26, s18;
	v9 =	vmul.f32 $3.200000000e+01, v5;
	v5 =	vld [tilespmem:s19+$0x9060];
	[tilespmem:s19+$0x11070] =	vst v3  }
0xee: {  	v11 =	vmul.f32 $3.200000000e+01, v6;
	v3 =	vld [tilespmem:s18+$0x9070];
	[tilespmem:s19+$0x11000] =	vst v4  }
0xef: {  	v4 =	vld [tilespmem:s18+$0x9000];
	[tilespmem:s19+$0x11010] =	vst v9;
	v9 =	vmul.f32 $3.200000000e+01, v8  }
0xf0: {  	s21 =	simm.s32 $0x8;
	v6 =	vld [tilespmem:s18+$0x9010];
	[tilespmem:s19+$0x11020] =	vst v11;
	v8 =	vmul.f32 $3.200000000e+01, v10  }
.LBB2_6:
0xf1: {  	s21 =	sadd.s32 $0x8, s21;
	v10 =	vld [tilespmem:s18+$0x9020];
	[tilespmem:s19+$0x11030] =	vst v9;
	v7 =	vmul.f32 $3.200000000e+01, v7  }
0xf2: {  	s20 =	sadd.s32 $0x400, s20;
	s22 =	sshll.u32 s21, $0x4;
	p0 =	slt.u32 s21, $0x3F8;
	v9 =	vld [tilespmem:s18+$0x9030];
	[tilespmem:s19+$0x11040] =	vst v8;
	v5 =	vmul.f32 $3.200000000e+01, v5  }
0xf3: {  	s23 =	sand.u32 $0x1C00, s20;
	s24 =	sshll.u32 s21, $0x1;
	s22 =	sand.u32 $0x2000, s22;
	v8 =	vld [tilespmem:s18+$0x9040];
	v3 =	vmul.f32 $3.200000000e+01, v3;
	[tilespmem:s19+$0x11050] =	vst v7  }
.Ltmp2:
0xf4: {  	s22 =	sor.u32 s23, s22;
	s23 =	sand.u32 $0x380, s24;
	v4 =	vmul.f32 $3.200000000e+01, v4;
	v7 =	vld [tilespmem:s18+$0x9050];
	[tilespmem:s19+$0x11060] =	vst v5;
	(pc) =	sbr.rel @p0 .LBB2_6-.Ltmp2, $4  }
0xf5: {  	s19 =	smov.u32 s18;
	v6 =	vmul.f32 $3.200000000e+01, v6;
	v5 =	vld [tilespmem:s18+$0x9060];
	[tilespmem:s18+$0x11070] =	vst v3;
	s18 =	sor.u32 s23, s22  }
0xf6: {  	v3 =	vld [tilespmem:s18+$0x9070];
	[tilespmem:s19+$0x11000] =	vst v4;
	v10 =	vmul.f32 $3.200000000e+01, v10  }
0xf7: {  	v4 =	vld [tilespmem:s18+$0x9000];
	[tilespmem:s19+$0x11010] =	vst v6;
	v9 =	vmul.f32 $3.200000000e+01, v9  }
0xf8: {  	v6 =	vld [tilespmem:s18+$0x9010];
	[tilespmem:s19+$0x11020] =	vst v10;
	v8 =	vmul.f32 $3.200000000e+01, v8  }
0xf9: {  	v10 =	vld [tilespmem:s18+$0x9020];
	[tilespmem:s19+$0x11030] =	vst v9;
	v7 =	vmul.f32 $3.200000000e+01, v7  }
0xfa: {  	v9 =	vld [tilespmem:s18+$0x9030];
	[tilespmem:s19+$0x11040] =	vst v8;
	v5 =	vmul.f32 $3.200000000e+01, v5  }
0xfb: {  	v8 =	vld [tilespmem:s18+$0x9040];
	v3 =	vmul.f32 $3.200000000e+01, v3;
	[tilespmem:s19+$0x11050] =	vst v7  }
0xfc: {  	v7 =	vld [tilespmem:s18+$0x9050];
	v4 =	vmul.f32 $3.200000000e+01, v4;
	[tilespmem:s19+$0x11060] =	vst v5  }
0xfd: {  	v5 =	vmul.f32 $3.200000000e+01, v6;
	v6 =	vld [tilespmem:s18+$0x9060];
	[tilespmem:s18+$0x11070] =	vst v3  }
0xfe: {  	[tilespmem:s18+$0x11000] =	vst v4;
	v3 =	vmul.f32 $3.200000000e+01, v10  }
0xff: {  	v4 =	vmul.f32 $3.200000000e+01, v9;
	[tilespmem:s18+$0x11010] =	vst v5  }
0x100: {  	[tilespmem:s18+$0x11020] =	vst v3;
	v3 =	vmul.f32 $3.200000000e+01, v8  }
0x101: {  	[tilespmem:s18+$0x11030] =	vst v4;
	v4 =	vmul.f32 $3.200000000e+01, v7  }
0x102: {  	[tilespmem:s18+$0x11040] =	vst v3;
	v3 =	vmul.f32 $3.200000000e+01, v6  }
0x103: {  	[tilespmem:s18+$0x11050] =	vst v4  }
0x104: {  	[tilespmem:s18+$0x11060] =	vst v3  }
0x105: {  	s18 =	simm.s32 $0x0;
	s6 =	rddreg [dreg:$0x6]  }
0x106: {  	[hbm4b:s6+s18] =	stream.linear.scatter [tilespmem:s11], [sflag:$0x5], $0x4000, $0x38;
	[tilespmem:$0x19000] =	vst v63  }
0x107: {  	v3 =	vld [tilespmem:$0x300];
	_ =	sdelay $0x4  }
0x108: {  	v4 =	vshll.u32 v3, $0x3  }
0x109: {  	v3 =	vand.u32 $0x7, v3;
	v4 =	vand.u32 $0xFFFFFFC0, v4  }
0x10a: {  	v3 =	vor.u32 v3, v4  }
0x10b: {  	v4 =	vperm.xlane v3, v0;
	_ =	sdelay $0x1  }
0x10c: {  	v4 =	vadd.s32 v1, v4;
	_ =	sdelay $0x3  }
0x10d: {  	s23 =	simm.s32 $0x9000  }
0x10e: {  	[tilespmem:s23], [sflag:$0x3] =	stream.indirect_vreg.gather [hbm4b:s2+s18], $0x80, v4, vm0, $0xb8;
	[tilespmem:$0x19000] =	vst v63  }
0x10f: {  	s24 =	simm.s32 $0x9800;
	v3 =	vperm.xlane v3, v2  }
0x110: {  	[tilespmem:s24], [sflag:$0x3] =	stream.indirect_vreg.gather [hbm4b:s7+s18], $0x80, v4, vm0, $0xb8;
	[tilespmem:$0x19000] =	vst v63  }
0x111: {  	s25 =	simm.s32 $0xA000;
	v3 =	vadd.s32 v1, v3  }
0x112: {  	[tilespmem:s25], [sflag:$0x3] =	stream.indirect_vreg.gather [hbm4b:s9+s18], $0x80, v4, vm0, $0xb8;
	[tilespmem:$0x19000] =	vst v63  }
0x113: {  	s26 =	simm.s32 $0xA800  }
0x114: {  	[tilespmem:s26], [sflag:$0x3] =	stream.indirect_vreg.gather [hbm4b:s10+s18], $0x80, v4, vm0, $0xb8;
	[tilespmem:$0x19000] =	vst v63  }
0x115: {  	s19 =	simm.s32 $0xB000  }
0x116: {  	[tilespmem:s19], [sflag:$0x3] =	stream.indirect_vreg.gather [hbm4b:s2+s18], $0x80, v3, vm0, $0xb8;
	[tilespmem:$0x19000] =	vst v63  }
0x117: {  	s20 =	simm.s32 $0xB800  }
0x118: {  	[tilespmem:s20], [sflag:$0x3] =	stream.indirect_vreg.gather [hbm4b:s7+s18], $0x80, v3, vm0, $0xb8;
	[tilespmem:$0x19000] =	vst v63  }
0x119: {  	s21 =	simm.s32 $0xC000  }
0x11a: {  	[tilespmem:s21], [sflag:$0x3] =	stream.indirect_vreg.gather [hbm4b:s9+s18], $0x80, v3, vm0, $0xb8;
	[tilespmem:$0x19000] =	vst v63  }
0x11b: {  	s22 =	simm.s32 $0xC800  }
0x11c: {  	[tilespmem:s22], [sflag:$0x3] =	stream.indirect_vreg.gather [hbm4b:s10+s18], $0x80, v3, vm0, $0xb8;
	[tilespmem:$0x19000] =	vst v63  }
0x11d: {  	_ =	swait.ge [sflag:s16], $0x4000  }
0x11e: {  	s23 =	simm.s32 $0x0;
	[sflag:s16] =	ssyncset.done $0x0  }
0x11f: {  	s19 =	sand.u32 $0x2000, s23;
	[sflag:s16] =	ssyncadd.s32 $0xFFFFC000  }
0x120: {  	s20 =	simm.s32 $0x0;
	s18 =	sand.u32 $0x1C00, s18;
	_ =	swait.ge [sflag:s14], $0x4000  }
0x121: {  	s24 =	sand.u32 $0x380, s20;
	s18 =	sor.u32 s18, s19;
	[sflag:s14] =	ssyncset.done $0x0  }
0x122: {  	s19 =	sor.u32 s24, s18;
	[sflag:s14] =	ssyncadd.s32 $0xFFFFC000  }
0x123: {  	v3 =	vld [tilespmem:s19+$0xD070]  }
0x124: {  	v4 =	vld [tilespmem:s19+$0xD000]  }
0x125: {  	v5 =	vld [tilespmem:s19+$0xD010]  }
0x126: {  	v6 =	vld [tilespmem:s19+$0xD020]  }
0x127: {  	s25 =	simm.s32 $0x80;
	s20 =	simm.s32 $0x400;
	v8 =	vld [tilespmem:s19+$0xD030]  }
0x128: {  	s21 =	sand.u32 $0x1C00, s20;
	s22 =	simm.s32 $0x10;
	s18 =	sand.u32 $0x2000, s25;
	v10 =	vld [tilespmem:s19+$0xD040];
	v3 =	vmul.f32 $3.200000000e+01, v3  }
0x129: {  	s26 =	sand.u32 $0x380, s22;
	s18 =	sor.u32 s21, s18;
	v7 =	vld [tilespmem:s19+$0xD050];
	v4 =	vmul.f32 $3.200000000e+01, v4  }
0x12a: {  	s18 =	sor.u32 s26, s18;
	v9 =	vmul.f32 $3.200000000e+01, v5;
	v5 =	vld [tilespmem:s19+$0xD060];
	[tilespmem:s19+$0x15070] =	vst v3  }
0x12b: {  	v11 =	vmul.f32 $3.200000000e+01, v6;
	v3 =	vld [tilespmem:s18+$0xD070];
	[tilespmem:s19+$0x15000] =	vst v4  }
0x12c: {  	v4 =	vld [tilespmem:s18+$0xD000];
	[tilespmem:s19+$0x15010] =	vst v9;
	v9 =	vmul.f32 $3.200000000e+01, v8  }
0x12d: {  	s21 =	simm.s32 $0x8;
	v6 =	vld [tilespmem:s18+$0xD010];
	[tilespmem:s19+$0x15020] =	vst v11;
	v8 =	vmul.f32 $3.200000000e+01, v10  }
.LBB2_8:
0x12e: {  	s21 =	sadd.s32 $0x8, s21;
	v10 =	vld [tilespmem:s18+$0xD020];
	[tilespmem:s19+$0x15030] =	vst v9;
	v7 =	vmul.f32 $3.200000000e+01, v7  }
0x12f: {  	s20 =	sadd.s32 $0x400, s20;
	s22 =	sshll.u32 s21, $0x4;
	p0 =	slt.u32 s21, $0x3F8;
	v9 =	vld [tilespmem:s18+$0xD030];
	[tilespmem:s19+$0x15040] =	vst v8;
	v5 =	vmul.f32 $3.200000000e+01, v5  }
0x130: {  	s23 =	sand.u32 $0x1C00, s20;
	s24 =	sshll.u32 s21, $0x1;
	s22 =	sand.u32 $0x2000, s22;
	v8 =	vld [tilespmem:s18+$0xD040];
	v3 =	vmul.f32 $3.200000000e+01, v3;
	[tilespmem:s19+$0x15050] =	vst v7  }
.Ltmp3:
0x131: {  	s22 =	sor.u32 s23, s22;
	s23 =	sand.u32 $0x380, s24;
	v4 =	vmul.f32 $3.200000000e+01, v4;
	v7 =	vld [tilespmem:s18+$0xD050];
	[tilespmem:s19+$0x15060] =	vst v5;
	(pc) =	sbr.rel @p0 .LBB2_8-.Ltmp3, $4  }
0x132: {  	s19 =	smov.u32 s18;
	v6 =	vmul.f32 $3.200000000e+01, v6;
	v5 =	vld [tilespmem:s18+$0xD060];
	[tilespmem:s18+$0x15070] =	vst v3;
	s18 =	sor.u32 s23, s22  }
0x133: {  	v3 =	vld [tilespmem:s18+$0xD070];
	[tilespmem:s19+$0x15000] =	vst v4;
	v10 =	vmul.f32 $3.200000000e+01, v10  }
0x134: {  	v4 =	vld [tilespmem:s18+$0xD000];
	[tilespmem:s19+$0x15010] =	vst v6;
	v9 =	vmul.f32 $3.200000000e+01, v9  }
0x135: {  	v6 =	vld [tilespmem:s18+$0xD010];
	[tilespmem:s19+$0x15020] =	vst v10;
	v8 =	vmul.f32 $3.200000000e+01, v8  }
0x136: {  	v10 =	vld [tilespmem:s18+$0xD020];
	[tilespmem:s19+$0x15030] =	vst v9;
	v7 =	vmul.f32 $3.200000000e+01, v7  }
0x137: {  	v56 =	vld [tilespmem:s18+$0xD030];
	[tilespmem:s19+$0x15040] =	vst v8;
	v5 =	vmul.f32 $3.200000000e+01, v5  }
0x138: {  	v57 =	vld [tilespmem:s18+$0xD040];
	v3 =	vmul.f32 $3.200000000e+01, v3;
	[tilespmem:s19+$0x15050] =	vst v7  }
0x139: {  	v58 =	vld [tilespmem:s18+$0xD050];
	v4 =	vmul.f32 $3.200000000e+01, v4;
	[tilespmem:s19+$0x15060] =	vst v5  }
0x13a: {  	v60 =	vld [tilespmem:s18+$0xD060];
	v59 =	vmul.f32 $3.200000000e+01, v6;
	[tilespmem:s18+$0x15070] =	vst v3  }
0x13b: {  	[tilespmem:s18+$0x15000] =	vst v4;
	v3 =	vmul.f32 $3.200000000e+01, v10  }
0x13c: {  	v61 =	vmul.f32 $3.200000000e+01, v56;
	[tilespmem:s18+$0x15010] =	vst v59  }
0x13d: {  	[tilespmem:s18+$0x15020] =	vst v3;
	v3 =	vmul.f32 $3.200000000e+01, v57  }
0x13e: {  	v62 =	vmul.f32 $3.200000000e+01, v58;
	[tilespmem:s18+$0x15030] =	vst v61  }
0x13f: {  	[tilespmem:s18+$0x15040] =	vst v3;
	v3 =	vmul.f32 $3.200000000e+01, v60  }
0x140: {  	[tilespmem:s18+$0x15050] =	vst v62  }
0x141: {  	[tilespmem:s18+$0x15060] =	vst v3  }
0x142: {  	s6 =	rddreg [dreg:$0x7]  }
0x143: {  	[hbm4b:s6+s4] =	stream.linear.scatter [tilespmem:s12], [sflag:$0x6], $0x4000, $0x38;
	[tilespmem:$0x19000] =	vst v63  }
0x144: {  	v3 =	vld [tilespmem:$0x380];
	_ =	sdelay $0x4  }
0x145: {  	v63 =	vshll.u32 v3, $0x3  }
0x146: {  	v3 =	vand.u32 $0x7, v3;
	v4 =	vand.u32 $0xFFFFFFC0, v63  }
0x147: {  	v3 =	vor.u32 v3, v4  }
0x148: {  	v4 =	vperm.xlane v3, v0;
	_ =	sdelay $0x1  }
0x149: {  	v4 =	vadd.s32 v1, v4;
	_ =	sdelay $0x3  }
0x14a: {  	s22 =	simm.s32 $0xD000  }
0x14b: {  	[tilespmem:s22], [sflag:$0x4] =	stream.indirect_vreg.gather [hbm4b:s2+s4], $0x80, v4, vm0, $0xb8;
	[tilespmem:$0x19000] =	vst v63  }
0x14c: {  	s23 =	simm.s32 $0xD800;
	v3 =	vperm.xlane v3, v2  }
0x14d: {  	[tilespmem:s23], [sflag:$0x4] =	stream.indirect_vreg.gather [hbm4b:s7+s4], $0x80, v4, vm0, $0xb8;
	[tilespmem:$0x19000] =	vst v63  }
0x14e: {  	s24 =	simm.s32 $0xE000;
	v3 =	vadd.s32 v1, v3  }
0x14f: {  	[tilespmem:s24], [sflag:$0x4] =	stream.indirect_vreg.gather [hbm4b:s9+s4], $0x80, v4, vm0, $0xb8;
	[tilespmem:$0x19000] =	vst v63  }
0x150: {  	s25 =	simm.s32 $0xE800  }
0x151: {  	[tilespmem:s25], [sflag:$0x4] =	stream.indirect_vreg.gather [hbm4b:s10+s4], $0x80, v4, vm0, $0xb8;
	[tilespmem:$0x19000] =	vst v63  }
0x152: {  	s26 =	simm.s32 $0xF000  }
0x153: {  	[tilespmem:s26], [sflag:$0x4] =	stream.indirect_vreg.gather [hbm4b:s2+s4], $0x80, v3, vm0, $0xb8;
	[tilespmem:$0x19000] =	vst v63  }
0x154: {  	_ = 	snop  }
0x155: {  	[tilespmem:s28], [sflag:$0x4] =	stream.indirect_vreg.gather [hbm4b:s7+s4], $0x80, v3, vm0, $0xb8;
	[tilespmem:$0x19000] =	vst v63  }
0x156: {  	_ = 	snop  }
0x157: {  	[tilespmem:s29], [sflag:$0x4] =	stream.indirect_vreg.gather [hbm4b:s9+s4], $0x80, v3, vm0, $0xb8;
	[tilespmem:$0x19000] =	vst v63  }
0x158: {  	s18 =	simm.s32 $0x1  }
0x159: {  	[tilespmem:s30], [sflag:$0x4] =	stream.indirect_vreg.gather [hbm4b:s10+s4], $0x80, v3, vm0, $0xb8;
	[tilespmem:$0x19000] =	vst v63  }
.LBB2_10:
0x15a: {  	_ =	swait.ge [sflag:s31], $0x4000  }
0x15b: {  	s19 =	simm.s32 $0x0;
	[sflag:s31] =	ssyncset.done $0x0  }
0x15c: {  	s20 =	simm.s32 $0x0;
	s21 =	simm.s32 $0x0;
	[sflag:s31] =	ssyncadd.s32 $0xFFFFC000  }
0x15d: {  	s20 =	sand.u32 $0x2000, s20;
	s19 =	sand.u32 $0x1C00, s19;
	_ =	swait.ge [sflag:s13], $0x4000  }
0x15e: {  	s24 =	sand.u32 $0x380, s21;
	s19 =	sor.u32 s19, s20;
	[sflag:s13] =	ssyncset.done $0x0  }
0x15f: {  	s20 =	sor.u32 s24, s19;
	[sflag:s13] =	ssyncadd.s32 $0xFFFFC000  }
0x160: {  	v3 =	vld [tilespmem:s20+$0x1070]  }
0x161: {  	v4 =	vld [tilespmem:s20+$0x1000]  }
0x162: {  	v5 =	vld [tilespmem:s20+$0x1010]  }
0x163: {  	v6 =	vld [tilespmem:s20+$0x1020]  }
0x164: {  	s25 =	simm.s32 $0x80;
	s21 =	simm.s32 $0x400;
	v8 =	vld [tilespmem:s20+$0x1030]  }
0x165: {  	s23 =	simm.s32 $0x10;
	s22 =	sand.u32 $0x1C00, s21;
	s19 =	sand.u32 $0x2000, s25;
	v10 =	vld [tilespmem:s20+$0x1040];
	v3 =	vmul.f32 $3.200000000e+01, v3  }
0x166: {  	s26 =	sand.u32 $0x380, s23;
	s19 =	sor.u32 s22, s19;
	v7 =	vld [tilespmem:s20+$0x1050];
	v4 =	vmul.f32 $3.200000000e+01, v4  }
0x167: {  	s19 =	sor.u32 s26, s19;
	v9 =	vmul.f32 $3.200000000e+01, v5;
	v5 =	vld [tilespmem:s20+$0x1060];
	[tilespmem:s20+$0x11070] =	vst v3  }
0x168: {  	v11 =	vmul.f32 $3.200000000e+01, v6;
	v3 =	vld [tilespmem:s19+$0x1070];
	[tilespmem:s20+$0x11000] =	vst v4  }
0x169: {  	v4 =	vld [tilespmem:s19+$0x1000];
	[tilespmem:s20+$0x11010] =	vst v9;
	v9 =	vmul.f32 $3.200000000e+01, v8  }
0x16a: {  	s22 =	simm.s32 $0x8;
	v6 =	vld [tilespmem:s19+$0x1010];
	[tilespmem:s20+$0x11020] =	vst v11;
	v8 =	vmul.f32 $3.200000000e+01, v10  }
.LBB2_11:
0x16b: {  	s22 =	sadd.s32 $0x8, s22;
	v10 =	vld [tilespmem:s19+$0x1020];
	[tilespmem:s20+$0x11030] =	vst v9;
	v7 =	vmul.f32 $3.200000000e+01, v7  }
0x16c: {  	s21 =	sadd.s32 $0x400, s21;
	s23 =	sshll.u32 s22, $0x4;
	p0 =	slt.u32 s22, $0x3F8;
	v9 =	vld [tilespmem:s19+$0x1030];
	[tilespmem:s20+$0x11040] =	vst v8;
	v5 =	vmul.f32 $3.200000000e+01, v5  }
0x16d: {  	s24 =	sand.u32 $0x1C00, s21;
	s25 =	sshll.u32 s22, $0x1;
	s23 =	sand.u32 $0x2000, s23;
	v8 =	vld [tilespmem:s19+$0x1040];
	v3 =	vmul.f32 $3.200000000e+01, v3;
	[tilespmem:s20+$0x11050] =	vst v7  }
.Ltmp4:
0x16e: {  	s23 =	sor.u32 s24, s23;
	s24 =	sand.u32 $0x380, s25;
	v4 =	vmul.f32 $3.200000000e+01, v4;
	v7 =	vld [tilespmem:s19+$0x1050];
	[tilespmem:s20+$0x11060] =	vst v5;
	(pc) =	sbr.rel @p0 .LBB2_11-.Ltmp4, $4  }
0x16f: {  	s20 =	smov.u32 s19;
	v6 =	vmul.f32 $3.200000000e+01, v6;
	v5 =	vld [tilespmem:s19+$0x1060];
	[tilespmem:s19+$0x11070] =	vst v3;
	s19 =	sor.u32 s24, s23  }
0x170: {  	v3 =	vld [tilespmem:s19+$0x1070];
	[tilespmem:s20+$0x11000] =	vst v4;
	v10 =	vmul.f32 $3.200000000e+01, v10  }
0x171: {  	v4 =	vld [tilespmem:s19+$0x1000];
	[tilespmem:s20+$0x11010] =	vst v6;
	v9 =	vmul.f32 $3.200000000e+01, v9  }
0x172: {  	v6 =	vld [tilespmem:s19+$0x1010];
	[tilespmem:s20+$0x11020] =	vst v10;
	v8 =	vmul.f32 $3.200000000e+01, v8  }
0x173: {  	v10 =	vld [tilespmem:s19+$0x1020];
	[tilespmem:s20+$0x11030] =	vst v9;
	v7 =	vmul.f32 $3.200000000e+01, v7  }
0x174: {  	v9 =	vld [tilespmem:s19+$0x1030];
	[tilespmem:s20+$0x11040] =	vst v8;
	v5 =	vmul.f32 $3.200000000e+01, v5  }
0x175: {  	v8 =	vld [tilespmem:s19+$0x1040];
	v3 =	vmul.f32 $3.200000000e+01, v3;
	[tilespmem:s20+$0x11050] =	vst v7  }
0x176: {  	v7 =	vld [tilespmem:s19+$0x1050];
	v4 =	vmul.f32 $3.200000000e+01, v4;
	[tilespmem:s20+$0x11060] =	vst v5  }
0x177: {  	v5 =	vmul.f32 $3.200000000e+01, v6;
	v6 =	vld [tilespmem:s19+$0x1060];
	[tilespmem:s19+$0x11070] =	vst v3  }
0x178: {  	[tilespmem:s19+$0x11000] =	vst v4;
	v3 =	vmul.f32 $3.200000000e+01, v10  }
0x179: {  	v4 =	vmul.f32 $3.200000000e+01, v9;
	[tilespmem:s19+$0x11010] =	vst v5  }
0x17a: {  	[tilespmem:s19+$0x11020] =	vst v3;
	v3 =	vmul.f32 $3.200000000e+01, v8  }
0x17b: {  	[tilespmem:s19+$0x11030] =	vst v4;
	v4 =	vmul.f32 $3.200000000e+01, v7  }
0x17c: {  	[tilespmem:s19+$0x11040] =	vst v3;
	v3 =	vmul.f32 $3.200000000e+01, v6  }
0x17d: {  	p0 =	seq.s32 s18, $0x7;
	s20 =	sshll.u32 s18, $0xB;
	[tilespmem:s19+$0x11050] =	vst v4  }
0x17e: {  	[tilespmem:s19+$0x11060] =	vst v3;
	s19 =	sshrl.u32 @!p0 s20, $0x2  }
0x17f: {  	v3 =	vld @!p0 [tilespmem:s19+$0x200];
	_ =	sdelay $0x4  }
0x180: {  	v4 =	vshll.u32 @!p0 v3, $0x3  }
0x181: {  	v5 =	vlaneseq.u32 @!p0;
	v3 =	vand.u32 @!p0 $0x7, v3;
	v4 =	vand.u32 @!p0 $0xFFFFFFC0, v4  }
0x182: {  	v6 =	vshrl.u32 @!p0 v5, $0x3;
	v3 =	vor.u32 @!p0 v3, v4;
	v4 =	vand.u32 @!p0 $0x7, v5  }
0x183: {  	v6 =	vmul.u32 @!p0 $0x8, v6;
	v4 =	vperm.xlane @!p0 v3, v4;
	_ =	sdelay $0x1  }
0x184: {  	v4 =	vadd.s32 @!p0 v6, v4;
	_ =	sdelay $0x3  }
0x185: {  	vm1 =	vmmov @!p0 $0xffff;
	s21 =	simm.s32 @!p0 $0x1000;
	s20 =	simm.s32 @!p0 $0x0  }
0x186: {  	v5 =	vor.u32 @!p0 $0x8, v5;
	[tilespmem:s21], [sflag:$0x1] =	stream.indirect_vreg.gather @!p0 [hbm4b:s2+s20], $0x80, v4, vm1, $0xb8;
	[tilespmem:$0x19000] =	vst v63  }
0x187: {  	v3 =	vperm.xlane @!p0 v3, v5;
	s21 =	simm.s32 @!p0 $0x1800  }
0x188: {  	[tilespmem:s21], [sflag:$0x1] =	stream.indirect_vreg.gather @!p0 [hbm4b:s7+s20], $0x80, v4, vm1, $0xb8;
	[tilespmem:$0x19000] =	vst v63  }
0x189: {  	v3 =	vadd.s32 @!p0 v6, v3;
	s21 =	simm.s32 @!p0 $0x2000  }
0x18a: {  	[tilespmem:s21], [sflag:$0x1] =	stream.indirect_vreg.gather @!p0 [hbm4b:s9+s20], $0x80, v4, vm1, $0xb8;
	[tilespmem:$0x19000] =	vst v63  }
0x18b: {  	s21 =	simm.s32 @!p0 $0x2800  }
0x18c: {  	[tilespmem:s21], [sflag:$0x1] =	stream.indirect_vreg.gather @!p0 [hbm4b:s10+s20], $0x80, v4, vm1, $0xb8;
	[tilespmem:$0x19000] =	vst v63  }
0x18d: {  	s21 =	simm.s32 @!p0 $0x3000  }
0x18e: {  	[tilespmem:s21], [sflag:$0x1] =	stream.indirect_vreg.gather @!p0 [hbm4b:s2+s20], $0x80, v3, vm1, $0xb8;
	[tilespmem:$0x19000] =	vst v63  }
0x18f: {  	s21 =	simm.s32 @!p0 $0x3800  }
0x190: {  	[tilespmem:s21], [sflag:$0x1] =	stream.indirect_vreg.gather @!p0 [hbm4b:s7+s20], $0x80, v3, vm1, $0xb8;
	[tilespmem:$0x19000] =	vst v63  }
0x191: {  	s21 =	simm.s32 @!p0 $0x4000  }
0x192: {  	[tilespmem:s21], [sflag:$0x1] =	stream.indirect_vreg.gather @!p0 [hbm4b:s9+s20], $0x80, v3, vm1, $0xb8;
	[tilespmem:$0x19000] =	vst v63  }
0x193: {  	s21 =	simm.s32 @!p0 $0x4800  }
0x194: {  	[tilespmem:s21], [sflag:$0x1] =	stream.indirect_vreg.gather @!p0 [hbm4b:s10+s20], $0x80, v3, vm1, $0xb8;
	[tilespmem:$0x19000] =	vst v63  }
0x195: {  	s21 =	sshll.u32 s18, $0xD  }
0x196: {  	s22 =	simm.s32 $0x0;
	s20 =	sadd.s32 s21, s8  }
0x197: {  	[hbm4b:s20+s22] =	stream.linear.scatter [tilespmem:s11], [sflag:$0x5], $0x4000, $0x38;
	[tilespmem:$0x19000] =	vst v63  }
0x198: {  	_ =	swait.ge [sflag:s0], $0x4000  }
0x199: {  	[sflag:s0] =	ssyncset.done $0x0  }
0x19a: {  	s23 =	simm.s32 $0x0;
	s21 =	sand.u32 $0x1C00, s22;
	[sflag:s0] =	ssyncadd.s32 $0xFFFFC000  }
0x19b: {  	s20 =	sand.u32 $0x2000, s23;
	s22 =	simm.s32 $0x0;
	_ =	swait.ge [sflag:s14], $0x4000  }
0x19c: {  	s20 =	sor.u32 s21, s20;
	s24 =	sand.u32 $0x380, s22;
	[sflag:s14] =	ssyncset.done $0x0  }
0x19d: {  	s21 =	sor.u32 s24, s20;
	[sflag:s14] =	ssyncadd.s32 $0xFFFFC000  }
0x19e: {  	v3 =	vld [tilespmem:s21+$0x5070]  }
0x19f: {  	v4 =	vld [tilespmem:s21+$0x5000]  }
0x1a0: {  	v5 =	vld [tilespmem:s21+$0x5010]  }
0x1a1: {  	v6 =	vld [tilespmem:s21+$0x5020]  }
0x1a2: {  	s25 =	simm.s32 $0x80;
	s22 =	simm.s32 $0x400;
	v8 =	vld [tilespmem:s21+$0x5030]  }
0x1a3: {  	s20 =	sand.u32 $0x2000, s25;
	s23 =	sand.u32 $0x1C00, s22;
	s24 =	simm.s32 $0x10;
	v10 =	vld [tilespmem:s21+$0x5040];
	v3 =	vmul.f32 $3.200000000e+01, v3  }
0x1a4: {  	s20 =	sor.u32 s23, s20;
	s26 =	sand.u32 $0x380, s24;
	v7 =	vld [tilespmem:s21+$0x5050];
	v4 =	vmul.f32 $3.200000000e+01, v4  }
0x1a5: {  	s20 =	sor.u32 s26, s20;
	v9 =	vmul.f32 $3.200000000e+01, v5;
	v5 =	vld [tilespmem:s21+$0x5060];
	[tilespmem:s21+$0x15070] =	vst v3  }
0x1a6: {  	v11 =	vmul.f32 $3.200000000e+01, v6;
	v3 =	vld [tilespmem:s20+$0x5070];
	[tilespmem:s21+$0x15000] =	vst v4  }
0x1a7: {  	v4 =	vld [tilespmem:s20+$0x5000];
	[tilespmem:s21+$0x15010] =	vst v9;
	v9 =	vmul.f32 $3.200000000e+01, v8  }
0x1a8: {  	s23 =	simm.s32 $0x8;
	v6 =	vld [tilespmem:s20+$0x5010];
	[tilespmem:s21+$0x15020] =	vst v11;
	v8 =	vmul.f32 $3.200000000e+01, v10  }
.LBB2_13:
0x1a9: {  	s23 =	sadd.s32 $0x8, s23;
	v10 =	vld [tilespmem:s20+$0x5020];
	[tilespmem:s21+$0x15030] =	vst v9;
	v7 =	vmul.f32 $3.200000000e+01, v7  }
0x1aa: {  	s22 =	sadd.s32 $0x400, s22;
	s24 =	sshll.u32 s23, $0x4;
	p1 =	slt.u32 s23, $0x3F8;
	v9 =	vld [tilespmem:s20+$0x5030];
	[tilespmem:s21+$0x15040] =	vst v8;
	v5 =	vmul.f32 $3.200000000e+01, v5  }
0x1ab: {  	s25 =	sand.u32 $0x1C00, s22;
	s26 =	sshll.u32 s23, $0x1;
	s24 =	sand.u32 $0x2000, s24;
	v8 =	vld [tilespmem:s20+$0x5040];
	v3 =	vmul.f32 $3.200000000e+01, v3;
	[tilespmem:s21+$0x15050] =	vst v7  }
.Ltmp5:
0x1ac: {  	s24 =	sor.u32 s25, s24;
	s25 =	sand.u32 $0x380, s26;
	v4 =	vmul.f32 $3.200000000e+01, v4;
	v7 =	vld [tilespmem:s20+$0x5050];
	[tilespmem:s21+$0x15060] =	vst v5;
	(pc) =	sbr.rel @p1 .LBB2_13-.Ltmp5, $4  }
0x1ad: {  	s21 =	smov.u32 s20;
	v6 =	vmul.f32 $3.200000000e+01, v6;
	v5 =	vld [tilespmem:s20+$0x5060];
	[tilespmem:s20+$0x15070] =	vst v3;
	s20 =	sor.u32 s25, s24  }
0x1ae: {  	v3 =	vld [tilespmem:s20+$0x5070];
	[tilespmem:s21+$0x15000] =	vst v4;
	v10 =	vmul.f32 $3.200000000e+01, v10  }
0x1af: {  	v4 =	vld [tilespmem:s20+$0x5000];
	[tilespmem:s21+$0x15010] =	vst v6;
	v9 =	vmul.f32 $3.200000000e+01, v9  }
0x1b0: {  	v6 =	vld [tilespmem:s20+$0x5010];
	[tilespmem:s21+$0x15020] =	vst v10;
	v8 =	vmul.f32 $3.200000000e+01, v8  }
0x1b1: {  	v10 =	vld [tilespmem:s20+$0x5020];
	[tilespmem:s21+$0x15030] =	vst v9;
	v7 =	vmul.f32 $3.200000000e+01, v7  }
0x1b2: {  	v9 =	vld [tilespmem:s20+$0x5030];
	[tilespmem:s21+$0x15040] =	vst v8;
	v5 =	vmul.f32 $3.200000000e+01, v5  }
0x1b3: {  	v8 =	vld [tilespmem:s20+$0x5040];
	v3 =	vmul.f32 $3.200000000e+01, v3;
	[tilespmem:s21+$0x15050] =	vst v7  }
0x1b4: {  	v7 =	vld [tilespmem:s20+$0x5050];
	v4 =	vmul.f32 $3.200000000e+01, v4;
	[tilespmem:s21+$0x15060] =	vst v5  }
0x1b5: {  	v5 =	vmul.f32 $3.200000000e+01, v6;
	v6 =	vld [tilespmem:s20+$0x5060];
	[tilespmem:s20+$0x15070] =	vst v3  }
0x1b6: {  	[tilespmem:s20+$0x15000] =	vst v4;
	v3 =	vmul.f32 $3.200000000e+01, v10  }
0x1b7: {  	v4 =	vmul.f32 $3.200000000e+01, v9;
	[tilespmem:s20+$0x15010] =	vst v5  }
0x1b8: {  	[tilespmem:s20+$0x15020] =	vst v3;
	v3 =	vmul.f32 $3.200000000e+01, v8  }
0x1b9: {  	[tilespmem:s20+$0x15030] =	vst v4;
	v4 =	vmul.f32 $3.200000000e+01, v7  }
0x1ba: {  	[tilespmem:s20+$0x15040] =	vst v3;
	v3 =	vmul.f32 $3.200000000e+01, v6  }
0x1bb: {  	[tilespmem:s20+$0x15050] =	vst v4  }
0x1bc: {  	[tilespmem:s20+$0x15060] =	vst v3  }
0x1bd: {  	v3 =	vld @!p0 [tilespmem:s19+$0x280];
	_ =	sdelay $0x4  }
0x1be: {  	v4 =	vshll.u32 @!p0 v3, $0x3  }
0x1bf: {  	v5 =	vlaneseq.u32 @!p0;
	v3 =	vand.u32 @!p0 $0x7, v3;
	v4 =	vand.u32 @!p0 $0xFFFFFFC0, v4  }
0x1c0: {  	v6 =	vshrl.u32 @!p0 v5, $0x3;
	v3 =	vor.u32 @!p0 v3, v4;
	v4 =	vand.u32 @!p0 $0x7, v5  }
0x1c1: {  	v6 =	vmul.u32 @!p0 $0x8, v6;
	v4 =	vperm.xlane @!p0 v3, v4;
	_ =	sdelay $0x1  }
0x1c2: {  	v4 =	vadd.s32 @!p0 v6, v4;
	_ =	sdelay $0x3  }
0x1c3: {  	s21 =	simm.s32 @!p0 $0x5000;
	s20 =	simm.s32 @!p0 $0x0  }
0x1c4: {  	v5 =	vor.u32 @!p0 $0x8, v5;
	[tilespmem:s21], [sflag:$0x2] =	stream.indirect_vreg.gather @!p0 [hbm4b:s2+s20], $0x80, v4, vm1, $0xb8;
	[tilespmem:$0x19000] =	vst v63  }
0x1c5: {  	v3 =	vperm.xlane @!p0 v3, v5;
	s21 =	simm.s32 @!p0 $0x5800  }
0x1c6: {  	[tilespmem:s21], [sflag:$0x2] =	stream.indirect_vreg.gather @!p0 [hbm4b:s7+s20], $0x80, v4, vm1, $0xb8;
	[tilespmem:$0x19000] =	vst v63  }
0x1c7: {  	v3 =	vadd.s32 @!p0 v6, v3;
	s21 =	simm.s32 @!p0 $0x6000  }
0x1c8: {  	[tilespmem:s21], [sflag:$0x2] =	stream.indirect_vreg.gather @!p0 [hbm4b:s9+s20], $0x80, v4, vm1, $0xb8;
	[tilespmem:$0x19000] =	vst v63  }
0x1c9: {  	s21 =	simm.s32 @!p0 $0x6800  }
0x1ca: {  	[tilespmem:s21], [sflag:$0x2] =	stream.indirect_vreg.gather @!p0 [hbm4b:s10+s20], $0x80, v4, vm1, $0xb8;
	[tilespmem:$0x19000] =	vst v63  }
0x1cb: {  	s21 =	simm.s32 @!p0 $0x7000  }
0x1cc: {  	[tilespmem:s21], [sflag:$0x2] =	stream.indirect_vreg.gather @!p0 [hbm4b:s2+s20], $0x80, v3, vm1, $0xb8;
	[tilespmem:$0x19000] =	vst v63  }
0x1cd: {  	s21 =	simm.s32 @!p0 $0x7800  }
0x1ce: {  	[tilespmem:s21], [sflag:$0x2] =	stream.indirect_vreg.gather @!p0 [hbm4b:s7+s20], $0x80, v3, vm1, $0xb8;
	[tilespmem:$0x19000] =	vst v63  }
0x1cf: {  	s21 =	simm.s32 @!p0 $0x8000  }
0x1d0: {  	[tilespmem:s21], [sflag:$0x2] =	stream.indirect_vreg.gather @!p0 [hbm4b:s9+s20], $0x80, v3, vm1, $0xb8;
	[tilespmem:$0x19000] =	vst v63  }
0x1d1: {  	s26 =	sshll.u32 s18, $0x6;
	s21 =	simm.s32 @!p0 $0x8800  }
0x1d2: {  	[tilespmem:s21], [sflag:$0x2] =	stream.indirect_vreg.gather @!p0 [hbm4b:s10+s20], $0x80, v3, vm1, $0xb8;
	[tilespmem:$0x19000] =	vst v63  }
0x1d3: {  	s20 =	sadd.s32 s26, s5  }
0x1d4: {  	s20 =	sshll.u32 s20, $0x7  }
0x1d5: {  	s20 =	sadd.s32 s3, s20  }
0x1d6: {  	s22 =	simm.s32 $0x0;
	s6 =	sadd.s32 $0x800, s20  }
0x1d7: {  	[hbm4b:s6+s22] =	stream.linear.scatter [tilespmem:s12], [sflag:$0x6], $0x4000, $0x38;
	[tilespmem:$0x19000] =	vst v63  }
0x1d8: {  	_ =	swait.ge [sflag:s1], $0x4000  }
0x1d9: {  	s23 =	simm.s32 $0x0;
	[sflag:s1] =	ssyncset.done $0x0  }
0x1da: {  	s21 =	sand.u32 $0x2000, s23;
	[sflag:s1] =	ssyncadd.s32 $0xFFFFC000  }
0x1db: {  	s23 =	simm.s32 $0x0;
	s22 =	sand.u32 $0x1C00, s22;
	_ =	swait.ge [sflag:s13], $0x4000  }
0x1dc: {  	s24 =	sand.u32 $0x380, s23;
	s21 =	sor.u32 s22, s21;
	[sflag:s13] =	ssyncset.done $0x0  }
0x1dd: {  	s22 =	sor.u32 s24, s21;
	[sflag:s13] =	ssyncadd.s32 $0xFFFFC000  }
0x1de: {  	v3 =	vld [tilespmem:s22+$0x9070]  }
0x1df: {  	v4 =	vld [tilespmem:s22+$0x9000]  }
0x1e0: {  	v5 =	vld [tilespmem:s22+$0x9010]  }
0x1e1: {  	v6 =	vld [tilespmem:s22+$0x9020]  }
0x1e2: {  	s25 =	simm.s32 $0x80;
	s23 =	simm.s32 $0x400;
	v8 =	vld [tilespmem:s22+$0x9030]  }
0x1e3: {  	s21 =	sand.u32 $0x2000, s25;
	s24 =	sand.u32 $0x1C00, s23;
	s25 =	simm.s32 $0x10;
	v10 =	vld [tilespmem:s22+$0x9040];
	v3 =	vmul.f32 $3.200000000e+01, v3  }
0x1e4: {  	s21 =	sor.u32 s24, s21;
	s26 =	sand.u32 $0x380, s25;
	v7 =	vld [tilespmem:s22+$0x9050];
	v4 =	vmul.f32 $3.200000000e+01, v4  }
0x1e5: {  	s21 =	sor.u32 s26, s21;
	v9 =	vmul.f32 $3.200000000e+01, v5;
	v5 =	vld [tilespmem:s22+$0x9060];
	[tilespmem:s22+$0x11070] =	vst v3  }
0x1e6: {  	v11 =	vmul.f32 $3.200000000e+01, v6;
	v3 =	vld [tilespmem:s21+$0x9070];
	[tilespmem:s22+$0x11000] =	vst v4  }
0x1e7: {  	v4 =	vld [tilespmem:s21+$0x9000];
	[tilespmem:s22+$0x11010] =	vst v9;
	v9 =	vmul.f32 $3.200000000e+01, v8  }
0x1e8: {  	s24 =	simm.s32 $0x8;
	v6 =	vld [tilespmem:s21+$0x9010];
	[tilespmem:s22+$0x11020] =	vst v11;
	v8 =	vmul.f32 $3.200000000e+01, v10  }
.LBB2_15:
0x1e9: {  	s24 =	sadd.s32 $0x8, s24;
	v10 =	vld [tilespmem:s21+$0x9020];
	[tilespmem:s22+$0x11030] =	vst v9;
	v7 =	vmul.f32 $3.200000000e+01, v7  }
0x1ea: {  	s23 =	sadd.s32 $0x400, s23;
	s25 =	sshll.u32 s24, $0x4;
	p1 =	slt.u32 s24, $0x3F8;
	v9 =	vld [tilespmem:s21+$0x9030];
	[tilespmem:s22+$0x11040] =	vst v8;
	v5 =	vmul.f32 $3.200000000e+01, v5  }
0x1eb: {  	s26 =	sand.u32 $0x1C00, s23;
	s6 =	sshll.u32 s24, $0x1;
	s25 =	sand.u32 $0x2000, s25;
	v8 =	vld [tilespmem:s21+$0x9040];
	v3 =	vmul.f32 $3.200000000e+01, v3;
	[tilespmem:s22+$0x11050] =	vst v7  }
.Ltmp6:
0x1ec: {  	s6 =	sand.u32 $0x380, s6;
	s25 =	sor.u32 s26, s25;
	v4 =	vmul.f32 $3.200000000e+01, v4;
	v7 =	vld [tilespmem:s21+$0x9050];
	[tilespmem:s22+$0x11060] =	vst v5;
	(pc) =	sbr.rel @p1 .LBB2_15-.Ltmp6, $4  }
0x1ed: {  	s22 =	smov.u32 s21;
	v6 =	vmul.f32 $3.200000000e+01, v6;
	v5 =	vld [tilespmem:s21+$0x9060];
	[tilespmem:s21+$0x11070] =	vst v3;
	s21 =	sor.u32 s6, s25  }
0x1ee: {  	v3 =	vld [tilespmem:s21+$0x9070];
	[tilespmem:s22+$0x11000] =	vst v4;
	v10 =	vmul.f32 $3.200000000e+01, v10  }
0x1ef: {  	v4 =	vld [tilespmem:s21+$0x9000];
	[tilespmem:s22+$0x11010] =	vst v6;
	v9 =	vmul.f32 $3.200000000e+01, v9  }
0x1f0: {  	v6 =	vld [tilespmem:s21+$0x9010];
	[tilespmem:s22+$0x11020] =	vst v10;
	v8 =	vmul.f32 $3.200000000e+01, v8  }
0x1f1: {  	v10 =	vld [tilespmem:s21+$0x9020];
	[tilespmem:s22+$0x11030] =	vst v9;
	v7 =	vmul.f32 $3.200000000e+01, v7  }
0x1f2: {  	v9 =	vld [tilespmem:s21+$0x9030];
	[tilespmem:s22+$0x11040] =	vst v8;
	v5 =	vmul.f32 $3.200000000e+01, v5  }
0x1f3: {  	v8 =	vld [tilespmem:s21+$0x9040];
	v3 =	vmul.f32 $3.200000000e+01, v3;
	[tilespmem:s22+$0x11050] =	vst v7  }
0x1f4: {  	v7 =	vld [tilespmem:s21+$0x9050];
	v4 =	vmul.f32 $3.200000000e+01, v4;
	[tilespmem:s22+$0x11060] =	vst v5  }
0x1f5: {  	v5 =	vmul.f32 $3.200000000e+01, v6;
	v6 =	vld [tilespmem:s21+$0x9060];
	[tilespmem:s21+$0x11070] =	vst v3  }
0x1f6: {  	[tilespmem:s21+$0x11000] =	vst v4;
	v3 =	vmul.f32 $3.200000000e+01, v10  }
0x1f7: {  	v4 =	vmul.f32 $3.200000000e+01, v9;
	[tilespmem:s21+$0x11010] =	vst v5  }
0x1f8: {  	[tilespmem:s21+$0x11020] =	vst v3;
	v3 =	vmul.f32 $3.200000000e+01, v8  }
0x1f9: {  	[tilespmem:s21+$0x11030] =	vst v4;
	v4 =	vmul.f32 $3.200000000e+01, v7  }
0x1fa: {  	[tilespmem:s21+$0x11040] =	vst v3;
	v3 =	vmul.f32 $3.200000000e+01, v6  }
0x1fb: {  	[tilespmem:s21+$0x11050] =	vst v4  }
0x1fc: {  	[tilespmem:s21+$0x11060] =	vst v3  }
0x1fd: {  	v3 =	vld @!p0 [tilespmem:s19+$0x300];
	_ =	sdelay $0x4  }
0x1fe: {  	v4 =	vshll.u32 @!p0 v3, $0x3  }
0x1ff: {  	v5 =	vlaneseq.u32 @!p0;
	v3 =	vand.u32 @!p0 $0x7, v3;
	v4 =	vand.u32 @!p0 $0xFFFFFFC0, v4  }
0x200: {  	v6 =	vshrl.u32 @!p0 v5, $0x3;
	v3 =	vor.u32 @!p0 v3, v4;
	v4 =	vand.u32 @!p0 $0x7, v5  }
0x201: {  	v6 =	vmul.u32 @!p0 $0x8, v6;
	v4 =	vperm.xlane @!p0 v3, v4;
	_ =	sdelay $0x1  }
0x202: {  	v4 =	vadd.s32 @!p0 v6, v4;
	_ =	sdelay $0x3  }
0x203: {  	s6 =	simm.s32 @!p0 $0x0;
	s21 =	simm.s32 @!p0 $0x9000  }
0x204: {  	v5 =	vor.u32 @!p0 $0x8, v5;
	[tilespmem:s21], [sflag:$0x3] =	stream.indirect_vreg.gather @!p0 [hbm4b:s2+s6], $0x80, v4, vm1, $0xb8;
	[tilespmem:$0x19000] =	vst v63  }
0x205: {  	v3 =	vperm.xlane @!p0 v3, v5;
	s21 =	simm.s32 @!p0 $0x9800  }
0x206: {  	[tilespmem:s21], [sflag:$0x3] =	stream.indirect_vreg.gather @!p0 [hbm4b:s7+s6], $0x80, v4, vm1, $0xb8;
	[tilespmem:$0x19000] =	vst v63  }
0x207: {  	v3 =	vadd.s32 @!p0 v6, v3;
	s21 =	simm.s32 @!p0 $0xA000  }
0x208: {  	[tilespmem:s21], [sflag:$0x3] =	stream.indirect_vreg.gather @!p0 [hbm4b:s9+s6], $0x80, v4, vm1, $0xb8;
	[tilespmem:$0x19000] =	vst v63  }
0x209: {  	s21 =	simm.s32 @!p0 $0xA800  }
0x20a: {  	[tilespmem:s21], [sflag:$0x3] =	stream.indirect_vreg.gather @!p0 [hbm4b:s10+s6], $0x80, v4, vm1, $0xb8;
	[tilespmem:$0x19000] =	vst v63  }
0x20b: {  	s21 =	simm.s32 @!p0 $0xB000  }
0x20c: {  	[tilespmem:s21], [sflag:$0x3] =	stream.indirect_vreg.gather @!p0 [hbm4b:s2+s6], $0x80, v3, vm1, $0xb8;
	[tilespmem:$0x19000] =	vst v63  }
0x20d: {  	s21 =	simm.s32 @!p0 $0xB800  }
0x20e: {  	[tilespmem:s21], [sflag:$0x3] =	stream.indirect_vreg.gather @!p0 [hbm4b:s7+s6], $0x80, v3, vm1, $0xb8;
	[tilespmem:$0x19000] =	vst v63  }
0x20f: {  	s21 =	simm.s32 @!p0 $0xC000  }
0x210: {  	[tilespmem:s21], [sflag:$0x3] =	stream.indirect_vreg.gather @!p0 [hbm4b:s9+s6], $0x80, v3, vm1, $0xb8;
	[tilespmem:$0x19000] =	vst v63  }
0x211: {  	s21 =	simm.s32 @!p0 $0xC800  }
0x212: {  	[tilespmem:s21], [sflag:$0x3] =	stream.indirect_vreg.gather @!p0 [hbm4b:s10+s6], $0x80, v3, vm1, $0xb8;
	[tilespmem:$0x19000] =	vst v63  }
0x213: {  	s23 =	sadd.s32 $0x1000, s20;
	s24 =	simm.s32 $0x0  }
0x214: {  	[hbm4b:s23+s24] =	stream.linear.scatter [tilespmem:s11], [sflag:$0x5], $0x4000, $0x38;
	[tilespmem:$0x19000] =	vst v63  }
0x215: {  	_ =	swait.ge [sflag:s16], $0x4000  }
0x216: {  	[sflag:s16] =	ssyncset.done $0x0  }
0x217: {  	s25 =	simm.s32 $0x0;
	s26 =	simm.s32 $0x0;
	[sflag:s16] =	ssyncadd.s32 $0xFFFFC000  }
0x218: {  	s6 =	sand.u32 $0x2000, s25;
	s21 =	sand.u32 $0x1C00, s24;
	_ =	swait.ge [sflag:s14], $0x4000  }
0x219: {  	s6 =	sor.u32 s21, s6;
	s23 =	sand.u32 $0x380, s26;
	[sflag:s14] =	ssyncset.done $0x0  }
0x21a: {  	s22 =	sor.u32 s23, s6;
	[sflag:s14] =	ssyncadd.s32 $0xFFFFC000  }
0x21b: {  	v3 =	vld [tilespmem:s22+$0xD070]  }
0x21c: {  	v4 =	vld [tilespmem:s22+$0xD000]  }
0x21d: {  	v5 =	vld [tilespmem:s22+$0xD010]  }
0x21e: {  	v6 =	vld [tilespmem:s22+$0xD020]  }
0x21f: {  	s24 =	simm.s32 $0x80;
	s23 =	simm.s32 $0x400;
	v8 =	vld [tilespmem:s22+$0xD030]  }
0x220: {  	s6 =	sand.u32 $0x2000, s24;
	s24 =	simm.s32 $0x10;
	s25 =	sand.u32 $0x1C00, s23;
	v10 =	vld [tilespmem:s22+$0xD040];
	v3 =	vmul.f32 $3.200000000e+01, v3  }
0x221: {  	s26 =	sand.u32 $0x380, s24;
	s6 =	sor.u32 s25, s6;
	v7 =	vld [tilespmem:s22+$0xD050];
	v4 =	vmul.f32 $3.200000000e+01, v4  }
0x222: {  	s21 =	sor.u32 s26, s6;
	v9 =	vmul.f32 $3.200000000e+01, v5;
	v5 =	vld [tilespmem:s22+$0xD060];
	[tilespmem:s22+$0x15070] =	vst v3  }
0x223: {  	v11 =	vmul.f32 $3.200000000e+01, v6;
	v3 =	vld [tilespmem:s21+$0xD070];
	[tilespmem:s22+$0x15000] =	vst v4  }
0x224: {  	v4 =	vld [tilespmem:s21+$0xD000];
	[tilespmem:s22+$0x15010] =	vst v9;
	v9 =	vmul.f32 $3.200000000e+01, v8  }
0x225: {  	s24 =	simm.s32 $0x8;
	v6 =	vld [tilespmem:s21+$0xD010];
	[tilespmem:s22+$0x15020] =	vst v11;
	v8 =	vmul.f32 $3.200000000e+01, v10  }
.LBB2_17:
0x226: {  	s24 =	sadd.s32 $0x8, s24;
	v10 =	vld [tilespmem:s21+$0xD020];
	[tilespmem:s22+$0x15030] =	vst v9;
	v7 =	vmul.f32 $3.200000000e+01, v7  }
0x227: {  	s23 =	sadd.s32 $0x400, s23;
	s6 =	sshll.u32 s24, $0x4;
	p1 =	slt.u32 s24, $0x3F8;
	v9 =	vld [tilespmem:s21+$0xD030];
	[tilespmem:s22+$0x15040] =	vst v8;
	v5 =	vmul.f32 $3.200000000e+01, v5  }
0x228: {  	s25 =	sand.u32 $0x1C00, s23;
	s26 =	sshll.u32 s24, $0x1;
	s6 =	sand.u32 $0x2000, s6;
	v8 =	vld [tilespmem:s21+$0xD040];
	v3 =	vmul.f32 $3.200000000e+01, v3;
	[tilespmem:s22+$0x15050] =	vst v7  }
.Ltmp7:
0x229: {  	s6 =	sor.u32 s25, s6;
	s25 =	sand.u32 $0x380, s26;
	v4 =	vmul.f32 $3.200000000e+01, v4;
	v7 =	vld [tilespmem:s21+$0xD050];
	[tilespmem:s22+$0x15060] =	vst v5;
	(pc) =	sbr.rel @p1 .LBB2_17-.Ltmp7, $4  }
0x22a: {  	s22 =	smov.u32 s21;
	v6 =	vmul.f32 $3.200000000e+01, v6;
	v5 =	vld [tilespmem:s21+$0xD060];
	[tilespmem:s21+$0x15070] =	vst v3;
	s21 =	sor.u32 s25, s6  }
0x22b: {  	v3 =	vld [tilespmem:s21+$0xD070];
	[tilespmem:s22+$0x15000] =	vst v4;
	v10 =	vmul.f32 $3.200000000e+01, v10  }
0x22c: {  	v4 =	vld [tilespmem:s21+$0xD000];
	[tilespmem:s22+$0x15010] =	vst v6;
	v9 =	vmul.f32 $3.200000000e+01, v9  }
0x22d: {  	v6 =	vld [tilespmem:s21+$0xD010];
	[tilespmem:s22+$0x15020] =	vst v10;
	v8 =	vmul.f32 $3.200000000e+01, v8  }
0x22e: {  	v10 =	vld [tilespmem:s21+$0xD020];
	[tilespmem:s22+$0x15030] =	vst v9;
	v7 =	vmul.f32 $3.200000000e+01, v7  }
0x22f: {  	v57 =	vld [tilespmem:s21+$0xD030];
	[tilespmem:s22+$0x15040] =	vst v8;
	v5 =	vmul.f32 $3.200000000e+01, v5  }
0x230: {  	v58 =	vld [tilespmem:s21+$0xD040];
	v3 =	vmul.f32 $3.200000000e+01, v3;
	[tilespmem:s22+$0x15050] =	vst v7  }
0x231: {  	v59 =	vld [tilespmem:s21+$0xD050];
	v4 =	vmul.f32 $3.200000000e+01, v4;
	[tilespmem:s22+$0x15060] =	vst v5  }
0x232: {  	v61 =	vld [tilespmem:s21+$0xD060];
	v60 =	vmul.f32 $3.200000000e+01, v6;
	[tilespmem:s21+$0x15070] =	vst v3  }
0x233: {  	[tilespmem:s21+$0x15000] =	vst v4;
	v3 =	vmul.f32 $3.200000000e+01, v10  }
0x234: {  	v62 =	vmul.f32 $3.200000000e+01, v57;
	[tilespmem:s21+$0x15010] =	vst v60  }
0x235: {  	[tilespmem:s21+$0x15020] =	vst v3;
	v3 =	vmul.f32 $3.200000000e+01, v58  }
0x236: {  	v63 =	vmul.f32 $3.200000000e+01, v59;
	[tilespmem:s21+$0x15030] =	vst v62  }
0x237: {  	[tilespmem:s21+$0x15040] =	vst v3;
	v3 =	vmul.f32 $3.200000000e+01, v61  }
0x238: {  	[tilespmem:s21+$0x15050] =	vst v63  }
0x239: {  	[tilespmem:s21+$0x15060] =	vst v3  }
0x23a: {  	v3 =	vld @!p0 [tilespmem:s19+$0x380];
	_ =	sdelay $0x4  }
0x23b: {  	v4 =	vshll.u32 @!p0 v3, $0x3  }
0x23c: {  	v5 =	vlaneseq.u32 @!p0;
	v3 =	vand.u32 @!p0 $0x7, v3;
	v4 =	vand.u32 @!p0 $0xFFFFFFC0, v4  }
0x23d: {  	v6 =	vshrl.u32 @!p0 v5, $0x3;
	v3 =	vor.u32 @!p0 v3, v4;
	v4 =	vand.u32 @!p0 $0x7, v5  }
0x23e: {  	v6 =	vmul.u32 @!p0 $0x8, v6;
	v4 =	vperm.xlane @!p0 v3, v4;
	_ =	sdelay $0x1  }
0x23f: {  	v4 =	vadd.s32 @!p0 v6, v4;
	_ =	sdelay $0x3  }
0x240: {  	s6 =	simm.s32 @!p0 $0x0;
	s19 =	simm.s32 @!p0 $0xD000  }
0x241: {  	v5 =	vor.u32 @!p0 $0x8, v5;
	[tilespmem:s19], [sflag:$0x4] =	stream.indirect_vreg.gather @!p0 [hbm4b:s2+s6], $0x80, v4, vm1, $0xb8;
	[tilespmem:$0x19000] =	vst v63  }
0x242: {  	v3 =	vperm.xlane @!p0 v3, v5;
	s19 =	simm.s32 @!p0 $0xD800  }
0x243: {  	[tilespmem:s19], [sflag:$0x4] =	stream.indirect_vreg.gather @!p0 [hbm4b:s7+s6], $0x80, v4, vm1, $0xb8;
	[tilespmem:$0x19000] =	vst v63  }
0x244: {  	v3 =	vadd.s32 @!p0 v6, v3;
	s19 =	simm.s32 @!p0 $0xE000  }
0x245: {  	[tilespmem:s19], [sflag:$0x4] =	stream.indirect_vreg.gather @!p0 [hbm4b:s9+s6], $0x80, v4, vm1, $0xb8;
	[tilespmem:$0x19000] =	vst v63  }
0x246: {  	s19 =	simm.s32 @!p0 $0xE800  }
0x247: {  	[tilespmem:s19], [sflag:$0x4] =	stream.indirect_vreg.gather @!p0 [hbm4b:s10+s6], $0x80, v4, vm1, $0xb8;
	[tilespmem:$0x19000] =	vst v63  }
0x248: {  	s19 =	simm.s32 @!p0 $0xF000  }
0x249: {  	[tilespmem:s19], [sflag:$0x4] =	stream.indirect_vreg.gather @!p0 [hbm4b:s2+s6], $0x80, v3, vm1, $0xb8;
	[tilespmem:$0x19000] =	vst v63  }
0x24a: {  	s19 =	simm.s32 @!p0 $0xF800  }
0x24b: {  	[tilespmem:s19], [sflag:$0x4] =	stream.indirect_vreg.gather @!p0 [hbm4b:s7+s6], $0x80, v3, vm1, $0xb8;
	[tilespmem:$0x19000] =	vst v63  }
0x24c: {  	s19 =	simm.s32 @!p0 $0x10000  }
0x24d: {  	[tilespmem:s19], [sflag:$0x4] =	stream.indirect_vreg.gather @!p0 [hbm4b:s9+s6], $0x80, v3, vm1, $0xb8;
	[tilespmem:$0x19000] =	vst v63  }
0x24e: {  	s18 =	sadd.s32 $0x1, s18;
	s19 =	simm.s32 @!p0 $0x10800  }
0x24f: {  	[tilespmem:s19], [sflag:$0x4] =	stream.indirect_vreg.gather @!p0 [hbm4b:s10+s6], $0x80, v3, vm1, $0xb8;
	[tilespmem:$0x19000] =	vst v63  }
0x250: {  	p0 =	sne.s32 s18, $0x8  }
.Ltmp8:
0x251: {  	_ = 	snop;
	(pc) =	sbr.rel @p0 .LBB2_10-.Ltmp8, $3  }
0x252: {  	_ =	sdelay $0x1  }
0x253: {  	s26 =	sadd.s32 $0x1800, s20  }
0x254: {  	[hbm4b:s26+s4] =	stream.linear.scatter [tilespmem:s12], [sflag:$0x6], $0x4000, $0x38;
	[tilespmem:$0x19000] =	vst v63  }
0x255: {  	_ =	swait.ge [sflag:s13], $0x4000  }
0x256: {  	[sflag:s13] =	ssyncset.done $0x0  }
0x257: {  	[sflag:s13] =	ssyncadd.s32 $0xFFFFC000  }
0x258: {  	_ =	swait.ge [sflag:s14], $0x4000  }
0x259: {  	s17 =	sadd.s32 $0x1, s17;
	s6 =	rddreg [dreg:$0x8]  }
0x25a: {  	p0 =	sne.s32 s17, s6  }
.Ltmp9:
0x25b: {  	_ = 	snop;
	(pc) =	sbr.rel @p0 .LBB2_1-.Ltmp9, $3  }
0x25c: {  	_ =	sdelay $0x1  }
0x25d: {  	[sflag:s14] =	ssyncset.done $0x0  }
0x25e: {  	s25 =	simm.s32 $0x1000;
	s26 =	simm.s32 $0x1800;
	[sflag:s14] =	ssyncadd.s32 $0xFFFFC000  }
0x25f: {  	_ =	sfence.sel $0x180000  }
0x260: {  	[bflag:$0x0] =	sbarrier.arrive $0xFFFF  }
0x261: {  	_ =	strace $0x90000047  }
0x262: {  	s0 =	stileid.u32;
	[bflag:$0x2] =	sbarrier.arrive $0xFFFF  }
0x263: {  	p0 =	sne.s32 s0, $0x0;
	s0 =	rddreg [dreg:$0x3]  }
0x264: {  	s0 =	sadd.s32 @!p0 $0x100000, s0  }
0x265: {  	[sflag:s0] =	ssyncadd.tile.s32 @!p0 $0x1;
	_ =	shalt  }
.Lfunc_end2:
_tile_overlayer_lowered:
.L_overlay_start_2:
0x266: {  	(tag) =	ssettag $0x2  }
0x267: {  	s0 =	rddreg [dreg:$0x0];
	s2 =	stileid.u32  }
0x268: {  	s1 =	rddreg [dreg:$0x1];
	p0 =	sne.s32 s2, $0x0  }
0x269: {  	s3 =	rddreg [dreg:$0x2];
	[bflag:$0x3] =	sbarrier.arrive $0xFFFF;
	s2 =	simm.s32 @!p0 $0x1C07  }
0x26a: {  	[timem:s3], [sflag:s2] =	dma.local @!p0 [hbm:s0], s1  }
0x26b: {  	s0 =	simm.s32 @!p0 $0x7  }
0x26c: {  	_ =	swait.ge @!p0 [sflag:s0], s1  }
0x26d: {  	s1 =	ssub.s32 @!p0 $0x0, s1;
	[sflag:s0] =	ssyncset.done @!p0 $0x0  }
0x26e: {  	[sflag:s0] =	ssyncadd.s32 @!p0 s1  }
0x26f: {  	[bflag:$0x3] =	sbarrier.arrive $0xFFFF  }
0x270: {  	_ =	shalt  }

</sc_bundles>
